<compile_context>
chip_gen: v7x
topology: tpu7x:2x2x1
jax: 0.10.2.dev20260603
libtpu: 0.0.44.dev20260713+nightly
codegen_flags: <defaults>
</compile_context>

<pallas_src>
import functools

import jax
import jax.numpy as jnp
from jax import lax
from jax.experimental import pallas as pl
from jax.experimental.pallas import tpu as pltpu
from jax.experimental.pallas import tpu_sc as plsc

N_NODES = 10000
N_EDGES = 160000
D_FEAT = 256

_ROWS_PER_BLK = 2048

_info = plsc.get_sparse_core_info()
_NC, _NS, _L = _info.num_cores, _info.num_subcores, _info.num_lanes
_NW = _NC * _NS
_EPW = 4992
_XB = 128
_EPW_PAD = _EPW + _XB


_D_ROWS = (N_NODES + _ROWS_PER_BLK - 1) // _ROWS_PER_BLK


def _matvec_body(x_ref, wt_ref, b_ref, o_ref):
    wv = wt_ref[0:1, :] - wt_ref[1:2, :]
    db = (b_ref[0, 0] - b_ref[0, 1]) * 0.5
    p = lax.dot_general(
        wv, x_ref[...], (((1,), (1,)), ((), ())),
        preferred_element_type=jnp.float32)
    o_ref[...] = (p + db).reshape(1, 1, _ROWS_PER_BLK)


def _node_scores(task_repr, Wt, b2):
    return pl.pallas_call(
        _matvec_body,
        grid=(_D_ROWS,),
        in_specs=[
            pl.BlockSpec((_ROWS_PER_BLK, D_FEAT), lambda i: (i, 0)),
            pl.BlockSpec((2, D_FEAT), lambda i: (0, 0)),
            pl.BlockSpec((1, 2), lambda i: (0, 0)),
        ],
        out_specs=pl.BlockSpec((1, 1, _ROWS_PER_BLK), lambda i: (i, 0, 0)),
        out_shape=jax.ShapeDtypeStruct(
            (_D_ROWS, 1, _ROWS_PER_BLK), jnp.float32),
    )(task_repr, Wt, b2)


_sc_mesh = plsc.VectorSubcoreMesh(core_axis_name="c", subcore_axis_name="s")


@functools.partial(
    pl.kernel,
    out_type=(
        jax.ShapeDtypeStruct((N_EDGES,), jnp.float32),
        jax.ShapeDtypeStruct((N_EDGES,), jnp.float32),
    ),
    mesh=_sc_mesh,
    compiler_params=pltpu.CompilerParams(needs_layout_passes=False),
    scratch_types=[
        pltpu.VMEM((_D_ROWS * _ROWS_PER_BLK,), jnp.float32),
        pltpu.VMEM((2, _EPW_PAD), jnp.int32),
        pltpu.VMEM((_EPW_PAD,), jnp.float32),
        pltpu.VMEM((_EPW_PAD,), jnp.float32),
        pltpu.SemaphoreType.DMA,
        pltpu.SemaphoreType.DMA,
        pltpu.SemaphoreType.DMA,
        pltpu.SemaphoreType.DMA,
    ],
)
def _edge_softmax(d_hbm, edge_hbm, ac_hbm, at_hbm,
                  d_v, edge_v, ac_v, at_v, sem0, sem1, sem2, sem3):
    wid = lax.axis_index("s") * _NC + lax.axis_index("c")
    base = wid * _EPW
    cp_ds = [
        pltpu.async_copy(
            d_hbm.at[i, 0], d_v.at[pl.ds(i * _ROWS_PER_BLK, _ROWS_PER_BLK)],
            sem0)
        for i in range(_D_ROWS)
    ]
    cp_e = pltpu.async_copy(
        edge_hbm.at[:, pl.ds(base, _EPW)], edge_v.at[:, pl.ds(0, _EPW)], sem1)
    for cp in cp_ds:
        cp.wait()
    cp_e.wait()

    def lanes(off):
        r = edge_v[0, pl.ds(off, _L)]
        c = edge_v[1, pl.ds(off, _L)]
        s = plsc.load_gather(d_v, [r]) + plsc.load_gather(d_v, [c])
        ac = 1.0 / (1.0 + jnp.exp(-s))
        ac_v[pl.ds(off, _L)] = ac
        at_v[pl.ds(off, _L)] = 1.0 - ac

    @plsc.parallel_loop(0, _EPW, step=_L, unroll=12)
    def _loop(off):
        lanes(off)

    cp_ac = pltpu.async_copy(
        ac_v.at[pl.ds(0, _EPW)], ac_hbm.at[pl.ds(base, _EPW)], sem0)
    cp_at = pltpu.async_copy(
        at_v.at[pl.ds(0, _EPW)], at_hbm.at[pl.ds(base, _EPW)], sem1)

    @pl.when(wid < 2)
    def _extra():
        xbase = _NW * _EPW + wid * _XB
        cp_x = pltpu.async_copy(
            edge_hbm.at[:, pl.ds(xbase, _XB)],
            edge_v.at[:, pl.ds(_EPW, _XB)], sem2)
        cp_x.wait()
        for j in range(_XB // _L):
            lanes(_EPW + j * _L)
        cp_xac = pltpu.async_copy(
            ac_v.at[pl.ds(_EPW, _XB)], ac_hbm.at[pl.ds(xbase, _XB)], sem2)
        cp_xat = pltpu.async_copy(
            at_v.at[pl.ds(_EPW, _XB)], at_hbm.at[pl.ds(xbase, _XB)], sem3)
        cp_xac.wait()
        cp_xat.wait()

    cp_ac.wait()
    cp_at.wait()


def kernel(task_repr, task_edge, W, b):
    d = _node_scores(task_repr, W.T, b.reshape(1, 2))
    a_causual, a_trivial = _edge_softmax(d, task_edge.astype(jnp.int32))
    return (a_causual, a_trivial)

# --- scband reference (transcript-rebuilt; emitter-appended) ---
"""Pipeline reference for scband-mask-a-51874615001425 (READ-ONLY COPY).

The authoritative reference and input builder live on the scoring server;
editing this copy changes nothing except your own understanding.
"""

import jax, jax.numpy as jnp
import numpy as np

N_NODES = 10000
N_EDGES = 160000
D_FEAT = 256


def setup_inputs(seed: int = 0) -> dict:
    key = jax.random.key(seed)
    k1, k2, k3, k4 = jax.random.split(key, 4)
    task_repr = jax.random.normal(k1, (N_NODES, D_FEAT), dtype=jnp.float32)
    task_edge = jax.random.randint(k2, (2, N_EDGES), 0, N_NODES, dtype=jnp.int64)
    # edge_att_mlp: nn.Linear(task_ebm_dim, 2)
    W = jax.random.normal(k3, (D_FEAT, 2), dtype=jnp.float32) * (1.0 / np.sqrt(D_FEAT))
    b = jax.random.normal(k4, (2,), dtype=jnp.float32) * 0.01
    return {"task_repr": task_repr, "task_edge": task_edge, "W": W, "b": b}


def reference(task_repr, task_edge, W, b):
    row = task_edge[0]
    col = task_edge[1]
    # gather source and destination node features and add
    h = jnp.take(task_repr, row, axis=0) + jnp.take(task_repr, col, axis=0)
    # with_edge_attention=True branch: softmax over a 2-way linear head
    logits = h @ W + b
    edge_att = jax.nn.softmax(logits, axis=-1)
    A_causual = edge_att[:, 0]
    A_trivial = edge_att[:, 1]
    return (A_causual, A_trivial)

if __name__ == "__main__":
    import jax
    _d = setup_inputs()
    print(jax.jit(kernel)(*tuple(_d.values())))

</pallas_src>

<mosaic_0001>
#map = affine_map<(d0, d1) -> (0, 0, 0)>
#map1 = affine_map<(d0, d1) -> (0, 0)>
#map2 = affine_map<(d0, d1) -> (0)>
module attributes {stable_mosaic.version = 14 : i64} {
  func.func @_edge_softmax(%arg0: i32, %arg1: i32, %arg2: memref<5x1x2048xf32, #tpu.memory_space<hbm>>, %arg3: memref<2x160000xi32, #tpu.memory_space<hbm>>, %arg4: memref<160000xf32, #tpu.memory_space<hbm>>, %arg5: memref<160000xf32, #tpu.memory_space<hbm>>, %arg6: memref<10240xf32, #tpu.memory_space<vmem>>, %arg7: memref<2x5120xi32, #tpu.memory_space<vmem>>, %arg8: memref<5120xf32, #tpu.memory_space<vmem>>, %arg9: memref<5120xf32, #tpu.memory_space<vmem>>, %arg10: memref<!tpu.dma_semaphore, #tpu.memory_space<semaphore_mem>>, %arg11: memref<!tpu.dma_semaphore, #tpu.memory_space<semaphore_mem>>, %arg12: memref<!tpu.dma_semaphore, #tpu.memory_space<semaphore_mem>>, %arg13: memref<!tpu.dma_semaphore, #tpu.memory_space<semaphore_mem>>) attributes {dimension_semantics = [#tpu.dimension_semantics<core_parallel>, #tpu.dimension_semantics<subcore_parallel>], iteration_bounds = array<i64: 2, 16>, scalar_prefetch = 0 : i64, scratch_operands = 8 : i64, tpu.core_type = #tpu.core_type<sc_vector_subcore>, window_params = [{transform_indices = #map}, {transform_indices = #map1}, {transform_indices = #map2}, {transform_indices = #map2}]} {
    %mul3A = arith.constant 2 : i32
    %mul3A_0 = arith.muli %arg1, %mul3A : i32
    %add3A = arith.addi %mul3A_0, %arg0 : i32
    %mul3A_1 = arith.constant 4992 : i32
    %mul3A_2 = arith.muli %add3A, %mul3A_1 : i32
    %dma_start3A = arith.constant 0 : i32
    %dma_start3A_3 = arith.constant 0 : i32
    %dma_start3A_4 = arith.constant 0 : i32
    %dma_start3A_5 = tpu.memref_slice %arg6[%dma_start3A_4] : memref<10240xf32, #tpu.memory_space<vmem>> -> memref<2048xf32, #tpu.memory_space<vmem>>
    %dma_start3A_6 = arith.constant 0 : i32
    %dma_start3A_7 = tpu.memref_slice %arg2[%dma_start3A, %dma_start3A_3, %dma_start3A_6] : memref<5x1x2048xf32, #tpu.memory_space<hbm>> -> memref<1x1x2048xf32, #tpu.memory_space<hbm>>
    %dma_start3A_8 = tpu.memref_squeeze %dma_start3A_7 : memref<1x1x2048xf32, #tpu.memory_space<hbm>> -> memref<2048xf32, #tpu.memory_space<hbm>>
    %dma_start3A_9 = arith.constant 0 : i32
    %dma_start3A_10 = tpu.memref_slice %arg6[%dma_start3A_9] : memref<10240xf32, #tpu.memory_space<vmem>> -> memref<2048xf32, #tpu.memory_space<vmem>>
    %dma_start3A_11 = arith.constant 0 : i32
    %dma_start3A_12 = tpu.memref_slice %arg2[%dma_start3A, %dma_start3A_3, %dma_start3A_11] : memref<5x1x2048xf32, #tpu.memory_space<hbm>> -> memref<1x1x2048xf32, #tpu.memory_space<hbm>>
    %dma_start3A_13 = tpu.memref_squeeze %dma_start3A_12 : memref<1x1x2048xf32, #tpu.memory_space<hbm>> -> memref<2048xf32, #tpu.memory_space<hbm>>
    tpu.enqueue_dma source(%dma_start3A_13 : memref<2048xf32, #tpu.memory_space<hbm>>) target(%dma_start3A_10 : memref<2048xf32, #tpu.memory_space<vmem>>) target_semaphore(%arg10 : memref<!tpu.dma_semaphore, #tpu.memory_space<semaphore_mem>>)
    %dma_start3A_14 = arith.constant 1 : i32
    %dma_start3A_15 = arith.constant 0 : i32
    %dma_start3A_16 = arith.constant 2048 : i32
    %dma_start3A_17 = tpu.memref_slice %arg6[%dma_start3A_16] : memref<10240xf32, #tpu.memory_space<vmem>> -> memref<2048xf32, #tpu.memory_space<vmem>>
    %dma_start3A_18 = arith.constant 0 : i32
    %dma_start3A_19 = tpu.memref_slice %arg2[%dma_start3A_14, %dma_start3A_15, %dma_start3A_18] : memref<5x1x2048xf32, #tpu.memory_space<hbm>> -> memref<1x1x2048xf32, #tpu.memory_space<hbm>>
    %dma_start3A_20 = tpu.memref_squeeze %dma_start3A_19 : memref<1x1x2048xf32, #tpu.memory_space<hbm>> -> memref<2048xf32, #tpu.memory_space<hbm>>
    %dma_start3A_21 = arith.constant 2048 : i32
    %dma_start3A_22 = tpu.memref_slice %arg6[%dma_start3A_21] : memref<10240xf32, #tpu.memory_space<vmem>> -> memref<2048xf32, #tpu.memory_space<vmem>>
    %dma_start3A_23 = arith.constant 0 : i32
    %dma_start3A_24 = tpu.memref_slice %arg2[%dma_start3A_14, %dma_start3A_15, %dma_start3A_23] : memref<5x1x2048xf32, #tpu.memory_space<hbm>> -> memref<1x1x2048xf32, #tpu.memory_space<hbm>>
    %dma_start3A_25 = tpu.memref_squeeze %dma_start3A_24 : memref<1x1x2048xf32, #tpu.memory_space<hbm>> -> memref<2048xf32, #tpu.memory_space<hbm>>
    tpu.enqueue_dma source(%dma_start3A_25 : memref<2048xf32, #tpu.memory_space<hbm>>) target(%dma_start3A_22 : memref<2048xf32, #tpu.memory_space<vmem>>) target_semaphore(%arg10 : memref<!tpu.dma_semaphore, #tpu.memory_space<semaphore_mem>>)
    %dma_start3A_26 = arith.constant 2 : i32
    %dma_start3A_27 = arith.constant 0 : i32
    %dma_start3A_28 = arith.constant 4096 : i32
    %dma_start3A_29 = tpu.memref_slice %arg6[%dma_start3A_28] : memref<10240xf32, #tpu.memory_space<vmem>> -> memref<2048xf32, #tpu.memory_space<vmem>>
    %dma_start3A_30 = arith.constant 0 : i32
    %dma_start3A_31 = tpu.memref_slice %arg2[%dma_start3A_26, %dma_start3A_27, %dma_start3A_30] : memref<5x1x2048xf32, #tpu.memory_space<hbm>> -> memref<1x1x2048xf32, #tpu.memory_space<hbm>>
    %dma_start3A_32 = tpu.memref_squeeze %dma_start3A_31 : memref<1x1x2048xf32, #tpu.memory_space<hbm>> -> memref<2048xf32, #tpu.memory_space<hbm>>
    %dma_start3A_33 = arith.constant 4096 : i32
    %dma_start3A_34 = tpu.memref_slice %arg6[%dma_start3A_33] : memref<10240xf32, #tpu.memory_space<vmem>> -> memref<2048xf32, #tpu.memory_space<vmem>>
    %dma_start3A_35 = arith.constant 0 : i32
    %dma_start3A_36 = tpu.memref_slice %arg2[%dma_start3A_26, %dma_start3A_27, %dma_start3A_35] : memref<5x1x2048xf32, #tpu.memory_space<hbm>> -> memref<1x1x2048xf32, #tpu.memory_space<hbm>>
    %dma_start3A_37 = tpu.memref_squeeze %dma_start3A_36 : memref<1x1x2048xf32, #tpu.memory_space<hbm>> -> memref<2048xf32, #tpu.memory_space<hbm>>
    tpu.enqueue_dma source(%dma_start3A_37 : memref<2048xf32, #tpu.memory_space<hbm>>) target(%dma_start3A_34 : memref<2048xf32, #tpu.memory_space<vmem>>) target_semaphore(%arg10 : memref<!tpu.dma_semaphore, #tpu.memory_space<semaphore_mem>>)
    %dma_start3A_38 = arith.constant 3 : i32
    %dma_start3A_39 = arith.constant 0 : i32
    %dma_start3A_40 = arith.constant 6144 : i32
    %dma_start3A_41 = tpu.memref_slice %arg6[%dma_start3A_40] : memref<10240xf32, #tpu.memory_space<vmem>> -> memref<2048xf32, #tpu.memory_space<vmem>>
    %dma_start3A_42 = arith.constant 0 : i32
    %dma_start3A_43 = tpu.memref_slice %arg2[%dma_start3A_38, %dma_start3A_39, %dma_start3A_42] : memref<5x1x2048xf32, #tpu.memory_space<hbm>> -> memref<1x1x2048xf32, #tpu.memory_space<hbm>>
    %dma_start3A_44 = tpu.memref_squeeze %dma_start3A_43 : memref<1x1x2048xf32, #tpu.memory_space<hbm>> -> memref<2048xf32, #tpu.memory_space<hbm>>
    %dma_start3A_45 = arith.constant 6144 : i32
    %dma_start3A_46 = tpu.memref_slice %arg6[%dma_start3A_45] : memref<10240xf32, #tpu.memory_space<vmem>> -> memref<2048xf32, #tpu.memory_space<vmem>>
    %dma_start3A_47 = arith.constant 0 : i32
    %dma_start3A_48 = tpu.memref_slice %arg2[%dma_start3A_38, %dma_start3A_39, %dma_start3A_47] : memref<5x1x2048xf32, #tpu.memory_space<hbm>> -> memref<1x1x2048xf32, #tpu.memory_space<hbm>>
    %dma_start3A_49 = tpu.memref_squeeze %dma_start3A_48 : memref<1x1x2048xf32, #tpu.memory_space<hbm>> -> memref<2048xf32, #tpu.memory_space<hbm>>
    tpu.enqueue_dma source(%dma_start3A_49 : memref<2048xf32, #tpu.memory_space<hbm>>) target(%dma_start3A_46 : memref<2048xf32, #tpu.memory_space<vmem>>) target_semaphore(%arg10 : memref<!tpu.dma_semaphore, #tpu.memory_space<semaphore_mem>>)
    %dma_start3A_50 = arith.constant 4 : i32
    %dma_start3A_51 = arith.constant 0 : i32
    %dma_start3A_52 = arith.constant 8192 : i32
    %dma_start3A_53 = tpu.memref_slice %arg6[%dma_start3A_52] : memref<10240xf32, #tpu.memory_space<vmem>> -> memref<2048xf32, #tpu.memory_space<vmem>>
    %dma_start3A_54 = arith.constant 0 : i32
    %dma_start3A_55 = tpu.memref_slice %arg2[%dma_start3A_50, %dma_start3A_51, %dma_start3A_54] : memref<5x1x2048xf32, #tpu.memory_space<hbm>> -> memref<1x1x2048xf32, #tpu.memory_space<hbm>>
    %dma_start3A_56 = tpu.memref_squeeze %dma_start3A_55 : memref<1x1x2048xf32, #tpu.memory_space<hbm>> -> memref<2048xf32, #tpu.memory_space<hbm>>
    %dma_start3A_57 = arith.constant 8192 : i32
    %dma_start3A_58 = tpu.memref_slice %arg6[%dma_start3A_57] : memref<10240xf32, #tpu.memory_space<vmem>> -> memref<2048xf32, #tpu.memory_space<vmem>>
    %dma_start3A_59 = arith.constant 0 : i32
    %dma_start3A_60 = tpu.memref_slice %arg2[%dma_start3A_50, %dma_start3A_51, %dma_start3A_59] : memref<5x1x2048xf32, #tpu.memory_space<hbm>> -> memref<1x1x2048xf32, #tpu.memory_space<hbm>>
    %dma_start3A_61 = tpu.memref_squeeze %dma_start3A_60 : memref<1x1x2048xf32, #tpu.memory_space<hbm>> -> memref<2048xf32, #tpu.memory_space<hbm>>
    tpu.enqueue_dma source(%dma_start3A_61 : memref<2048xf32, #tpu.memory_space<hbm>>) target(%dma_start3A_58 : memref<2048xf32, #tpu.memory_space<vmem>>) target_semaphore(%arg10 : memref<!tpu.dma_semaphore, #tpu.memory_space<semaphore_mem>>)
    %dma_start3A_62 = arith.constant 0 : i32
    %dma_start3A_63 = arith.constant 0 : i32
    %dma_start3A_64 = tpu.memref_slice %arg7[%dma_start3A_62, %dma_start3A_63] : memref<2x5120xi32, #tpu.memory_space<vmem>> -> memref<2x4992xi32, #tpu.memory_space<vmem>>
    %dma_start3A_65 = arith.constant 0 : i32
    %dma_start3A_66 = tpu.memref_slice %arg3[%dma_start3A_65, %mul3A_2] : memref<2x160000xi32, #tpu.memory_space<hbm>> -> memref<2x4992xi32, #tpu.memory_space<hbm>>
    %dma_start3A_67 = arith.constant 0 : i32
    %dma_start3A_68 = arith.constant 0 : i32
    %dma_start3A_69 = tpu.memref_slice %arg7[%dma_start3A_67, %dma_start3A_68] : memref<2x5120xi32, #tpu.memory_space<vmem>> -> memref<2x4992xi32, #tpu.memory_space<vmem>>
    %dma_start3A_70 = arith.constant 0 : i32
    %dma_start3A_71 = tpu.memref_slice %arg3[%dma_start3A_70, %mul3A_2] : memref<2x160000xi32, #tpu.memory_space<hbm>> -> memref<2x4992xi32, #tpu.memory_space<hbm>>
    tpu.enqueue_dma source(%dma_start3A_71 : memref<2x4992xi32, #tpu.memory_space<hbm>>) target(%dma_start3A_69 : memref<2x4992xi32, #tpu.memory_space<vmem>>) target_semaphore(%arg11 : memref<!tpu.dma_semaphore, #tpu.memory_space<semaphore_mem>>)
    %dma_wait3A = arith.constant 0 : i32
    %dma_wait3A_72 = arith.constant 0 : i32
    %dma_wait3A_73 = arith.constant 0 : i32
    %dma_wait3A_74 = tpu.memref_slice %arg6[%dma_wait3A_73] : memref<10240xf32, #tpu.memory_space<vmem>> -> memref<2048xf32, #tpu.memory_space<vmem>>
    %dma_wait3A_75 = arith.constant 0 : i32
    %dma_wait3A_76 = tpu.memref_slice %arg2[%dma_wait3A, %dma_wait3A_72, %dma_wait3A_75] : memref<5x1x2048xf32, #tpu.memory_space<hbm>> -> memref<1x1x2048xf32, #tpu.memory_space<hbm>>
    %dma_wait3A_77 = tpu.memref_squeeze %dma_wait3A_76 : memref<1x1x2048xf32, #tpu.memory_space<hbm>> -> memref<2048xf32, #tpu.memory_space<hbm>>
    %dma_wait3A_78 = arith.constant 0 : i32
    %dma_wait3A_79 = tpu.memref_slice %arg6[%dma_wait3A_78] : memref<10240xf32, #tpu.memory_space<vmem>> -> memref<2048xf32, #tpu.memory_space<vmem>>
    %dma_wait3A_80 = arith.constant 0 : i32
    %dma_wait3A_81 = tpu.memref_slice %arg2[%dma_wait3A, %dma_wait3A_72, %dma_wait3A_80] : memref<5x1x2048xf32, #tpu.memory_space<hbm>> -> memref<1x1x2048xf32, #tpu.memory_space<hbm>>
    %dma_wait3A_82 = tpu.memref_squeeze %dma_wait3A_81 : memref<1x1x2048xf32, #tpu.memory_space<hbm>> -> memref<2048xf32, #tpu.memory_space<hbm>>
    tpu.wait_dma2 semaphore(%arg10 : memref<!tpu.dma_semaphore, #tpu.memory_space<semaphore_mem>>) src(%dma_wait3A_82 : memref<2048xf32, #tpu.memory_space<hbm>>) dst(%dma_wait3A_79 : memref<2048xf32, #tpu.memory_space<vmem>>)
    %dma_wait3A_83 = arith.constant 1 : i32
    %dma_wait3A_84 = arith.constant 0 : i32
    %dma_wait3A_85 = arith.constant 2048 : i32
    %dma_wait3A_86 = tpu.memref_slice %arg6[%dma_wait3A_85] : memref<10240xf32, #tpu.memory_space<vmem>> -> memref<2048xf32, #tpu.memory_space<vmem>>
    %dma_wait3A_87 = arith.constant 0 : i32
    %dma_wait3A_88 = tpu.memref_slice %arg2[%dma_wait3A_83, %dma_wait3A_84, %dma_wait3A_87] : memref<5x1x2048xf32, #tpu.memory_space<hbm>> -> memref<1x1x2048xf32, #tpu.memory_space<hbm>>
    %dma_wait3A_89 = tpu.memref_squeeze %dma_wait3A_88 : memref<1x1x2048xf32, #tpu.memory_space<hbm>> -> memref<2048xf32, #tpu.memory_space<hbm>>
    %dma_wait3A_90 = arith.constant 2048 : i32
    %dma_wait3A_91 = tpu.memref_slice %arg6[%dma_wait3A_90] : memref<10240xf32, #tpu.memory_space<vmem>> -> memref<2048xf32, #tpu.memory_space<vmem>>
    %dma_wait3A_92 = arith.constant 0 : i32
    %dma_wait3A_93 = tpu.memref_slice %arg2[%dma_wait3A_83, %dma_wait3A_84, %dma_wait3A_92] : memref<5x1x2048xf32, #tpu.memory_space<hbm>> -> memref<1x1x2048xf32, #tpu.memory_space<hbm>>
    %dma_wait3A_94 = tpu.memref_squeeze %dma_wait3A_93 : memref<1x1x2048xf32, #tpu.memory_space<hbm>> -> memref<2048xf32, #tpu.memory_space<hbm>>
    tpu.wait_dma2 semaphore(%arg10 : memref<!tpu.dma_semaphore, #tpu.memory_space<semaphore_mem>>) src(%dma_wait3A_94 : memref<2048xf32, #tpu.memory_space<hbm>>) dst(%dma_wait3A_91 : memref<2048xf32, #tpu.memory_space<vmem>>)
    %dma_wait3A_95 = arith.constant 2 : i32
    %dma_wait3A_96 = arith.constant 0 : i32
    %dma_wait3A_97 = arith.constant 4096 : i32
    %dma_wait3A_98 = tpu.memref_slice %arg6[%dma_wait3A_97] : memref<10240xf32, #tpu.memory_space<vmem>> -> memref<2048xf32, #tpu.memory_space<vmem>>
    %dma_wait3A_99 = arith.constant 0 : i32
    %dma_wait3A_100 = tpu.memref_slice %arg2[%dma_wait3A_95, %dma_wait3A_96, %dma_wait3A_99] : memref<5x1x2048xf32, #tpu.memory_space<hbm>> -> memref<1x1x2048xf32, #tpu.memory_space<hbm>>
    %dma_wait3A_101 = tpu.memref_squeeze %dma_wait3A_100 : memref<1x1x2048xf32, #tpu.memory_space<hbm>> -> memref<2048xf32, #tpu.memory_space<hbm>>
    %dma_wait3A_102 = arith.constant 4096 : i32
    %dma_wait3A_103 = tpu.memref_slice %arg6[%dma_wait3A_102] : memref<10240xf32, #tpu.memory_space<vmem>> -> memref<2048xf32, #tpu.memory_space<vmem>>
    %dma_wait3A_104 = arith.constant 0 : i32
    %dma_wait3A_105 = tpu.memref_slice %arg2[%dma_wait3A_95, %dma_wait3A_96, %dma_wait3A_104] : memref<5x1x2048xf32, #tpu.memory_space<hbm>> -> memref<1x1x2048xf32, #tpu.memory_space<hbm>>
    %dma_wait3A_106 = tpu.memref_squeeze %dma_wait3A_105 : memref<1x1x2048xf32, #tpu.memory_space<hbm>> -> memref<2048xf32, #tpu.memory_space<hbm>>
    tpu.wait_dma2 semaphore(%arg10 : memref<!tpu.dma_semaphore, #tpu.memory_space<semaphore_mem>>) src(%dma_wait3A_106 : memref<2048xf32, #tpu.memory_space<hbm>>) dst(%dma_wait3A_103 : memref<2048xf32, #tpu.memory_space<vmem>>)
    %dma_wait3A_107 = arith.constant 3 : i32
    %dma_wait3A_108 = arith.constant 0 : i32
    %dma_wait3A_109 = arith.constant 6144 : i32
    %dma_wait3A_110 = tpu.memref_slice %arg6[%dma_wait3A_109] : memref<10240xf32, #tpu.memory_space<vmem>> -> memref<2048xf32, #tpu.memory_space<vmem>>
    %dma_wait3A_111 = arith.constant 0 : i32
    %dma_wait3A_112 = tpu.memref_slice %arg2[%dma_wait3A_107, %dma_wait3A_108, %dma_wait3A_111] : memref<5x1x2048xf32, #tpu.memory_space<hbm>> -> memref<1x1x2048xf32, #tpu.memory_space<hbm>>
    %dma_wait3A_113 = tpu.memref_squeeze %dma_wait3A_112 : memref<1x1x2048xf32, #tpu.memory_space<hbm>> -> memref<2048xf32, #tpu.memory_space<hbm>>
    %dma_wait3A_114 = arith.constant 6144 : i32
    %dma_wait3A_115 = tpu.memref_slice %arg6[%dma_wait3A_114] : memref<10240xf32, #tpu.memory_space<vmem>> -> memref<2048xf32, #tpu.memory_space<vmem>>
    %dma_wait3A_116 = arith.constant 0 : i32
    %dma_wait3A_117 = tpu.memref_slice %arg2[%dma_wait3A_107, %dma_wait3A_108, %dma_wait3A_116] : memref<5x1x2048xf32, #tpu.memory_space<hbm>> -> memref<1x1x2048xf32, #tpu.memory_space<hbm>>
    %dma_wait3A_118 = tpu.memref_squeeze %dma_wait3A_117 : memref<1x1x2048xf32, #tpu.memory_space<hbm>> -> memref<2048xf32, #tpu.memory_space<hbm>>
    tpu.wait_dma2 semaphore(%arg10 : memref<!tpu.dma_semaphore, #tpu.memory_space<semaphore_mem>>) src(%dma_wait3A_118 : memref<2048xf32, #tpu.memory_space<hbm>>) dst(%dma_wait3A_115 : memref<2048xf32, #tpu.memory_space<vmem>>)
    %dma_wait3A_119 = arith.constant 4 : i32
    %dma_wait3A_120 = arith.constant 0 : i32
    %dma_wait3A_121 = arith.constant 8192 : i32
    %dma_wait3A_122 = tpu.memref_slice %arg6[%dma_wait3A_121] : memref<10240xf32, #tpu.memory_space<vmem>> -> memref<2048xf32, #tpu.memory_space<vmem>>
    %dma_wait3A_123 = arith.constant 0 : i32
    %dma_wait3A_124 = tpu.memref_slice %arg2[%dma_wait3A_119, %dma_wait3A_120, %dma_wait3A_123] : memref<5x1x2048xf32, #tpu.memory_space<hbm>> -> memref<1x1x2048xf32, #tpu.memory_space<hbm>>
    %dma_wait3A_125 = tpu.memref_squeeze %dma_wait3A_124 : memref<1x1x2048xf32, #tpu.memory_space<hbm>> -> memref<2048xf32, #tpu.memory_space<hbm>>
    %dma_wait3A_126 = arith.constant 8192 : i32
    %dma_wait3A_127 = tpu.memref_slice %arg6[%dma_wait3A_126] : memref<10240xf32, #tpu.memory_space<vmem>> -> memref<2048xf32, #tpu.memory_space<vmem>>
    %dma_wait3A_128 = arith.constant 0 : i32
    %dma_wait3A_129 = tpu.memref_slice %arg2[%dma_wait3A_119, %dma_wait3A_120, %dma_wait3A_128] : memref<5x1x2048xf32, #tpu.memory_space<hbm>> -> memref<1x1x2048xf32, #tpu.memory_space<hbm>>
    %dma_wait3A_130 = tpu.memref_squeeze %dma_wait3A_129 : memref<1x1x2048xf32, #tpu.memory_space<hbm>> -> memref<2048xf32, #tpu.memory_space<hbm>>
    tpu.wait_dma2 semaphore(%arg10 : memref<!tpu.dma_semaphore, #tpu.memory_space<semaphore_mem>>) src(%dma_wait3A_130 : memref<2048xf32, #tpu.memory_space<hbm>>) dst(%dma_wait3A_127 : memref<2048xf32, #tpu.memory_space<vmem>>)
    %dma_wait3A_131 = arith.constant 0 : i32
    %dma_wait3A_132 = arith.constant 0 : i32
    %dma_wait3A_133 = tpu.memref_slice %arg7[%dma_wait3A_131, %dma_wait3A_132] : memref<2x5120xi32, #tpu.memory_space<vmem>> -> memref<2x4992xi32, #tpu.memory_space<vmem>>
    %dma_wait3A_134 = arith.constant 0 : i32
    %dma_wait3A_135 = tpu.memref_slice %arg3[%dma_wait3A_134, %mul3A_2] : memref<2x160000xi32, #tpu.memory_space<hbm>> -> memref<2x4992xi32, #tpu.memory_space<hbm>>
    %dma_wait3A_136 = arith.constant 0 : i32
    %dma_wait3A_137 = arith.constant 0 : i32
    %dma_wait3A_138 = tpu.memref_slice %arg7[%dma_wait3A_136, %dma_wait3A_137] : memref<2x5120xi32, #tpu.memory_space<vmem>> -> memref<2x4992xi32, #tpu.memory_space<vmem>>
    %dma_wait3A_139 = arith.constant 0 : i32
    %dma_wait3A_140 = tpu.memref_slice %arg3[%dma_wait3A_139, %mul3A_2] : memref<2x160000xi32, #tpu.memory_space<hbm>> -> memref<2x4992xi32, #tpu.memory_space<hbm>>
    tpu.wait_dma2 semaphore(%arg11 : memref<!tpu.dma_semaphore, #tpu.memory_space<semaphore_mem>>) src(%dma_wait3A_140 : memref<2x4992xi32, #tpu.memory_space<hbm>>) dst(%dma_wait3A_138 : memref<2x4992xi32, #tpu.memory_space<vmem>>)
    %parallel_loop3A = arith.constant 0 : i32
    %parallel_loop3A_141 = arith.constant 4992 : i32
    %parallel_loop3A_142 = arith.constant 16 : i32
    scf.for %parallel_loop3A_169 = %parallel_loop3A to %parallel_loop3A_141 step %parallel_loop3A_142  : i32 {
      %parallel_loop3A_170 = arith.constant 0 : i32
      %parallel_loop3A_171 = arith.index_cast %parallel_loop3A_170 : i32 to index
      %parallel_loop3A_172 = arith.index_cast %parallel_loop3A_169 : i32 to index
      %parallel_loop3A_173 = tpu.vector_load %arg7[%parallel_loop3A_171, %parallel_loop3A_172] {strides = array<i32>} : memref<2x5120xi32, #tpu.memory_space<vmem>>, vector<16xi32>,
      %parallel_loop3A_174 = arith.constant 1 : i32
      %parallel_loop3A_175 = arith.index_cast %parallel_loop3A_174 : i32 to index
      %parallel_loop3A_176 = arith.index_cast %parallel_loop3A_169 : i32 to index
      %parallel_loop3A_177 = tpu.vector_load %arg7[%parallel_loop3A_175, %parallel_loop3A_176] {strides = array<i32>} : memref<2x5120xi32, #tpu.memory_space<vmem>>, vector<16xi32>,
      %parallel_loop3A_178 = tpu.vector_load_idx %arg6[%parallel_loop3A_173] : memref<10240xf32, #tpu.memory_space<vmem>>[vector<16xi32>], vector<16xf32>,
      %parallel_loop3A_179 = tpu.vector_load_idx %arg6[%parallel_loop3A_177] : memref<10240xf32, #tpu.memory_space<vmem>>[vector<16xi32>], vector<16xf32>,
      %parallel_loop3A_180 = arith.addf %parallel_loop3A_178, %parallel_loop3A_179 : vector<16xf32>
      %parallel_loop3A_181 = arith.constant 0.000000e+00 : f32
      %parallel_loop3A_182 = vector.broadcast %parallel_loop3A_181 : f32 to vector<16xf32>
      %parallel_loop3A_183 = arith.subf %parallel_loop3A_182, %parallel_loop3A_180 : vector<16xf32>
      %parallel_loop3A_184 = math.exp %parallel_loop3A_183 : vector<16xf32>
      %parallel_loop3A_185 = arith.constant 1.000000e+00 : f32
      %parallel_loop3A_186 = vector.broadcast %parallel_loop3A_185 : f32 to vector<16xf32>
      %parallel_loop3A_187 = arith.addf %parallel_loop3A_186, %parallel_loop3A_184 : vector<16xf32>
      %parallel_loop3A_188 = arith.constant 1.000000e+00 : f32
      %parallel_loop3A_189 = vector.broadcast %parallel_loop3A_188 : f32 to vector<16xf32>
      %parallel_loop3A_190 = arith.divf %parallel_loop3A_189, %parallel_loop3A_187 : vector<16xf32>
      %parallel_loop3A_191 = arith.index_cast %parallel_loop3A_169 : i32 to index
      %parallel_loop3A_192 = tpu.vector_load %arg8[%parallel_loop3A_191] {strides = array<i32>} : memref<5120xf32, #tpu.memory_space<vmem>>, vector<16xf32>,
      tpu.vector_store %arg8[%parallel_loop3A_191], %parallel_loop3A_190 {strides = array<i32>} : memref<5120xf32, #tpu.memory_space<vmem>>, vector<16xf32>,
      %parallel_loop3A_193 = arith.constant 1.000000e+00 : f32
      %parallel_loop3A_194 = vector.broadcast %parallel_loop3A_193 : f32 to vector<16xf32>
      %parallel_loop3A_195 = arith.subf %parallel_loop3A_194, %parallel_loop3A_190 : vector<16xf32>
      %parallel_loop3A_196 = arith.index_cast %parallel_loop3A_169 : i32 to index
      %parallel_loop3A_197 = tpu.vector_load %arg9[%parallel_loop3A_196] {strides = array<i32>} : memref<5120xf32, #tpu.memory_space<vmem>>, vector<16xf32>,
      tpu.vector_store %arg9[%parallel_loop3A_196], %parallel_loop3A_195 {strides = array<i32>} : memref<5120xf32, #tpu.memory_space<vmem>>, vector<16xf32>,
    } {sc.loop_unroll_factor = 12 : i64, sc.parallel_access}
    %dma_start3A_143 = arith.constant 0 : i32
    %dma_start3A_144 = tpu.memref_slice %arg8[%dma_start3A_143] : memref<5120xf32, #tpu.memory_space<vmem>> -> memref<4992xf32, #tpu.memory_space<vmem>>
    %dma_start3A_145 = tpu.memref_slice %arg4[%mul3A_2] : memref<160000xf32, #tpu.memory_space<hbm>> -> memref<4992xf32, #tpu.memory_space<hbm>>
    %dma_start3A_146 = tpu.memref_slice %arg4[%mul3A_2] : memref<160000xf32, #tpu.memory_space<hbm>> -> memref<4992xf32, #tpu.memory_space<hbm>>
    %dma_start3A_147 = arith.constant 0 : i32
    %dma_start3A_148 = tpu.memref_slice %arg8[%dma_start3A_147] : memref<5120xf32, #tpu.memory_space<vmem>> -> memref<4992xf32, #tpu.memory_space<vmem>>
    tpu.enqueue_dma source(%dma_start3A_148 : memref<4992xf32, #tpu.memory_space<vmem>>) target(%dma_start3A_146 : memref<4992xf32, #tpu.memory_space<hbm>>) target_semaphore(%arg10 : memref<!tpu.dma_semaphore, #tpu.memory_space<semaphore_mem>>)
    %dma_start3A_149 = arith.constant 0 : i32
    %dma_start3A_150 = tpu.memref_slice %arg9[%dma_start3A_149] : memref<5120xf32, #tpu.memory_space<vmem>> -> memref<4992xf32, #tpu.memory_space<vmem>>
    %dma_start3A_151 = tpu.memref_slice %arg5[%mul3A_2] : memref<160000xf32, #tpu.memory_space<hbm>> -> memref<4992xf32, #tpu.memory_space<hbm>>
    %dma_start3A_152 = tpu.memref_slice %arg5[%mul3A_2] : memref<160000xf32, #tpu.memory_space<hbm>> -> memref<4992xf32, #tpu.memory_space<hbm>>
    %dma_start3A_153 = arith.constant 0 : i32
    %dma_start3A_154 = tpu.memref_slice %arg9[%dma_start3A_153] : memref<5120xf32, #tpu.memory_space<vmem>> -> memref<4992xf32, #tpu.memory_space<vmem>>
    tpu.enqueue_dma source(%dma_start3A_154 : memref<4992xf32, #tpu.memory_space<vmem>>) target(%dma_start3A_152 : memref<4992xf32, #tpu.memory_space<hbm>>) target_semaphore(%arg11 : memref<!tpu.dma_semaphore, #tpu.memory_space<semaphore_mem>>)
    %lt3A = arith.constant 2 : i32
    %lt3A_155 = arith.cmpi slt, %add3A, %lt3A : i32
    %convert_element_type3A = arith.extui %lt3A_155 : i1 to i32
    %cond3A = arith.constant 0 : i32
    %cond3A_156 = arith.cmpi ne, %convert_element_type3A, %cond3A : i32
    scf.if %cond3A_156 {
      %mul3A_169 = arith.constant 128 : i32
      %mul3A_170 = arith.muli %add3A, %mul3A_169 : i32
      %add3A_171 = arith.constant 159744 : i32
      %add3A_172 = arith.addi %add3A_171, %mul3A_170 : i32
      %dma_start3A_173 = arith.constant 0 : i32
      %dma_start3A_174 = arith.constant 4992 : i32
      %dma_start3A_175 = tpu.memref_slice %arg7[%dma_start3A_173, %dma_start3A_174] : memref<2x5120xi32, #tpu.memory_space<vmem>> -> memref<2x128xi32, #tpu.memory_space<vmem>>
      %dma_start3A_176 = arith.constant 0 : i32
      %dma_start3A_177 = tpu.memref_slice %arg3[%dma_start3A_176, %add3A_172] : memref<2x160000xi32, #tpu.memory_space<hbm>> -> memref<2x128xi32, #tpu.memory_space<hbm>>
      %dma_start3A_178 = arith.constant 0 : i32
      %dma_start3A_179 = arith.constant 4992 : i32
      %dma_start3A_180 = tpu.memref_slice %arg7[%dma_start3A_178, %dma_start3A_179] : memref<2x5120xi32, #tpu.memory_space<vmem>> -> memref<2x128xi32, #tpu.memory_space<vmem>>
      %dma_start3A_181 = arith.constant 0 : i32
      %dma_start3A_182 = tpu.memref_slice %arg3[%dma_start3A_181, %add3A_172] : memref<2x160000xi32, #tpu.memory_space<hbm>> -> memref<2x128xi32, #tpu.memory_space<hbm>>
      tpu.enqueue_dma source(%dma_start3A_182 : memref<2x128xi32, #tpu.memory_space<hbm>>) target(%dma_start3A_180 : memref<2x128xi32, #tpu.memory_space<vmem>>) target_semaphore(%arg12 : memref<!tpu.dma_semaphore, #tpu.memory_space<semaphore_mem>>)
      %dma_wait3A_183 = arith.constant 0 : i32
      %dma_wait3A_184 = arith.constant 4992 : i32
      %dma_wait3A_185 = tpu.memref_slice %arg7[%dma_wait3A_183, %dma_wait3A_184] : memref<2x5120xi32, #tpu.memory_space<vmem>> -> memref<2x128xi32, #tpu.memory_space<vmem>>
      %dma_wait3A_186 = arith.constant 0 : i32
      %dma_wait3A_187 = tpu.memref_slice %arg3[%dma_wait3A_186, %add3A_172] : memref<2x160000xi32, #tpu.memory_space<hbm>> -> memref<2x128xi32, #tpu.memory_space<hbm>>
      %dma_wait3A_188 = arith.constant 0 : i32
      %dma_wait3A_189 = arith.constant 4992 : i32
      %dma_wait3A_190 = tpu.memref_slice %arg7[%dma_wait3A_188, %dma_wait3A_189] : memref<2x5120xi32, #tpu.memory_space<vmem>> -> memref<2x128xi32, #tpu.memory_space<vmem>>
      %dma_wait3A_191 = arith.constant 0 : i32
      %dma_wait3A_192 = tpu.memref_slice %arg3[%dma_wait3A_191, %add3A_172] : memref<2x160000xi32, #tpu.memory_space<hbm>> -> memref<2x128xi32, #tpu.memory_space<hbm>>
      tpu.wait_dma2 semaphore(%arg12 : memref<!tpu.dma_semaphore, #tpu.memory_space<semaphore_mem>>) src(%dma_wait3A_192 : memref<2x128xi32, #tpu.memory_space<hbm>>) dst(%dma_wait3A_190 : memref<2x128xi32, #tpu.memory_space<vmem>>)
      %get3A = arith.constant 0 : i32
      %get3A_193 = arith.index_cast %get3A : i32 to index
      %get3A_194 = arith.constant 4992 : index
      %get3A_195 = tpu.vector_load %arg7[%get3A_193, %get3A_194] {strides = array<i32>} : memref<2x5120xi32, #tpu.memory_space<vmem>>, vector<16xi32>,
      %get3A_196 = arith.constant 1 : i32
      %get3A_197 = arith.index_cast %get3A_196 : i32 to index
      %get3A_198 = arith.constant 4992 : index
      %get3A_199 = tpu.vector_load %arg7[%get3A_197, %get3A_198] {strides = array<i32>} : memref<2x5120xi32, #tpu.memory_space<vmem>>, vector<16xi32>,
      %gather3A = tpu.vector_load_idx %arg6[%get3A_195] : memref<10240xf32, #tpu.memory_space<vmem>>[vector<16xi32>], vector<16xf32>,
      %gather3A_200 = tpu.vector_load_idx %arg6[%get3A_199] : memref<10240xf32, #tpu.memory_space<vmem>>[vector<16xi32>], vector<16xf32>,
      %add3A_201 = arith.addf %gather3A, %gather3A_200 : vector<16xf32>
      %neg3A = arith.constant 0.000000e+00 : f32
      %neg3A_202 = vector.broadcast %neg3A : f32 to vector<16xf32>
      %neg3A_203 = arith.subf %neg3A_202, %add3A_201 : vector<16xf32>
      %exp3A = math.exp %neg3A_203 : vector<16xf32>
      %add3A_204 = arith.constant 1.000000e+00 : f32
      %add3A_205 = vector.broadcast %add3A_204 : f32 to vector<16xf32>
      %add3A_206 = arith.addf %add3A_205, %exp3A : vector<16xf32>
      %div3A = arith.constant 1.000000e+00 : f32
      %div3A_207 = vector.broadcast %div3A : f32 to vector<16xf32>
      %div3A_208 = arith.divf %div3A_207, %add3A_206 : vector<16xf32>
      %swap3A = arith.constant 4992 : index
      %swap3A_209 = tpu.vector_load %arg8[%swap3A] {strides = array<i32>} : memref<5120xf32, #tpu.memory_space<vmem>>, vector<16xf32>,
      tpu.vector_store %arg8[%swap3A], %div3A_208 {strides = array<i32>} : memref<5120xf32, #tpu.memory_space<vmem>>, vector<16xf32>,
      %sub3A = arith.constant 1.000000e+00 : f32
      %sub3A_210 = vector.broadcast %sub3A : f32 to vector<16xf32>
      %sub3A_211 = arith.subf %sub3A_210, %div3A_208 : vector<16xf32>
      %swap3A_212 = arith.constant 4992 : index
      %swap3A_213 = tpu.vector_load %arg9[%swap3A_212] {strides = array<i32>} : memref<5120xf32, #tpu.memory_space<vmem>>, vector<16xf32>,
      tpu.vector_store %arg9[%swap3A_212], %sub3A_211 {strides = array<i32>} : memref<5120xf32, #tpu.memory_space<vmem>>, vector<16xf32>,
      %get3A_214 = arith.constant 0 : i32
      %get3A_215 = arith.index_cast %get3A_214 : i32 to index
      %get3A_216 = arith.constant 5008 : index
      %get3A_217 = tpu.vector_load %arg7[%get3A_215, %get3A_216] {strides = array<i32>} : memref<2x5120xi32, #tpu.memory_space<vmem>>, vector<16xi32>,
      %get3A_218 = arith.constant 1 : i32
      %get3A_219 = arith.index_cast %get3A_218 : i32 to index
      %get3A_220 = arith.constant 5008 : index
      %get3A_221 = tpu.vector_load %arg7[%get3A_219, %get3A_220] {strides = array<i32>} : memref<2x5120xi32, #tpu.memory_space<vmem>>, vector<16xi32>,
      %gather3A_222 = tpu.vector_load_idx %arg6[%get3A_217] : memref<10240xf32, #tpu.memory_space<vmem>>[vector<16xi32>], vector<16xf32>,
      %gather3A_223 = tpu.vector_load_idx %arg6[%get3A_221] : memref<10240xf32, #tpu.memory_space<vmem>>[vector<16xi32>], vector<16xf32>,
      %add3A_224 = arith.addf %gather3A_222, %gather3A_223 : vector<16xf32>
      %neg3A_225 = arith.constant 0.000000e+00 : f32
      %neg3A_226 = vector.broadcast %neg3A_225 : f32 to vector<16xf32>
      %neg3A_227 = arith.subf %neg3A_226, %add3A_224 : vector<16xf32>
      %exp3A_228 = math.exp %neg3A_227 : vector<16xf32>
      %add3A_229 = arith.constant 1.000000e+00 : f32
      %add3A_230 = vector.broadcast %add3A_229 : f32 to vector<16xf32>
      %add3A_231 = arith.addf %add3A_230, %exp3A_228 : vector<16xf32>
      %div3A_232 = arith.constant 1.000000e+00 : f32
      %div3A_233 = vector.broadcast %div3A_232 : f32 to vector<16xf32>
      %div3A_234 = arith.divf %div3A_233, %add3A_231 : vector<16xf32>
      %swap3A_235 = arith.constant 5008 : index
      %swap3A_236 = tpu.vector_load %arg8[%swap3A_235] {strides = array<i32>} : memref<5120xf32, #tpu.memory_space<vmem>>, vector<16xf32>,
      tpu.vector_store %arg8[%swap3A_235], %div3A_234 {strides = array<i32>} : memref<5120xf32, #tpu.memory_space<vmem>>, vector<16xf32>,
      %sub3A_237 = arith.constant 1.000000e+00 : f32
      %sub3A_238 = vector.broadcast %sub3A_237 : f32 to vector<16xf32>
      %sub3A_239 = arith.subf %sub3A_238, %div3A_234 : vector<16xf32>
      %swap3A_240 = arith.constant 5008 : index
      %swap3A_241 = tpu.vector_load %arg9[%swap3A_240] {strides = array<i32>} : memref<5120xf32, #tpu.memory_space<vmem>>, vector<16xf32>,
      tpu.vector_store %arg9[%swap3A_240], %sub3A_239 {strides = array<i32>} : memref<5120xf32, #tpu.memory_space<vmem>>, vector<16xf32>,
      %get3A_242 = arith.constant 0 : i32
      %get3A_243 = arith.index_cast %get3A_242 : i32 to index
      %get3A_244 = arith.constant 5024 : index
      %get3A_245 = tpu.vector_load %arg7[%get3A_243, %get3A_244] {strides = array<i32>} : memref<2x5120xi32, #tpu.memory_space<vmem>>, vector<16xi32>,
      %get3A_246 = arith.constant 1 : i32
      %get3A_247 = arith.index_cast %get3A_246 : i32 to index
      %get3A_248 = arith.constant 5024 : index
      %get3A_249 = tpu.vector_load %arg7[%get3A_247, %get3A_248] {strides = array<i32>} : memref<2x5120xi32, #tpu.memory_space<vmem>>, vector<16xi32>,
      %gather3A_250 = tpu.vector_load_idx %arg6[%get3A_245] : memref<10240xf32, #tpu.memory_space<vmem>>[vector<16xi32>], vector<16xf32>,
      %gather3A_251 = tpu.vector_load_idx %arg6[%get3A_249] : memref<10240xf32, #tpu.memory_space<vmem>>[vector<16xi32>], vector<16xf32>,
      %add3A_252 = arith.addf %gather3A_250, %gather3A_251 : vector<16xf32>
      %neg3A_253 = arith.constant 0.000000e+00 : f32
      %neg3A_254 = vector.broadcast %neg3A_253 : f32 to vector<16xf32>
      %neg3A_255 = arith.subf %neg3A_254, %add3A_252 : vector<16xf32>
      %exp3A_256 = math.exp %neg3A_255 : vector<16xf32>
      %add3A_257 = arith.constant 1.000000e+00 : f32
      %add3A_258 = vector.broadcast %add3A_257 : f32 to vector<16xf32>
      %add3A_259 = arith.addf %add3A_258, %exp3A_256 : vector<16xf32>
      %div3A_260 = arith.constant 1.000000e+00 : f32
      %div3A_261 = vector.broadcast %div3A_260 : f32 to vector<16xf32>
      %div3A_262 = arith.divf %div3A_261, %add3A_259 : vector<16xf32>
      %swap3A_263 = arith.constant 5024 : index
      %swap3A_264 = tpu.vector_load %arg8[%swap3A_263] {strides = array<i32>} : memref<5120xf32, #tpu.memory_space<vmem>>, vector<16xf32>,
      tpu.vector_store %arg8[%swap3A_263], %div3A_262 {strides = array<i32>} : memref<5120xf32, #tpu.memory_space<vmem>>, vector<16xf32>,
      %sub3A_265 = arith.constant 1.000000e+00 : f32
      %sub3A_266 = vector.broadcast %sub3A_265 : f32 to vector<16xf32>
      %sub3A_267 = arith.subf %sub3A_266, %div3A_262 : vector<16xf32>
      %swap3A_268 = arith.constant 5024 : index
      %swap3A_269 = tpu.vector_load %arg9[%swap3A_268] {strides = array<i32>} : memref<5120xf32, #tpu.memory_space<vmem>>, vector<16xf32>,
      tpu.vector_store %arg9[%swap3A_268], %sub3A_267 {strides = array<i32>} : memref<5120xf32, #tpu.memory_space<vmem>>, vector<16xf32>,
      %get3A_270 = arith.constant 0 : i32
      %get3A_271 = arith.index_cast %get3A_270 : i32 to index
      %get3A_272 = arith.constant 5040 : index
      %get3A_273 = tpu.vector_load %arg7[%get3A_271, %get3A_272] {strides = array<i32>} : memref<2x5120xi32, #tpu.memory_space<vmem>>, vector<16xi32>,
      %get3A_274 = arith.constant 1 : i32
      %get3A_275 = arith.index_cast %get3A_274 : i32 to index
      %get3A_276 = arith.constant 5040 : index
      %get3A_277 = tpu.vector_load %arg7[%get3A_275, %get3A_276] {strides = array<i32>} : memref<2x5120xi32, #tpu.memory_space<vmem>>, vector<16xi32>,
      %gather3A_278 = tpu.vector_load_idx %arg6[%get3A_273] : memref<10240xf32, #tpu.memory_space<vmem>>[vector<16xi32>], vector<16xf32>,
      %gather3A_279 = tpu.vector_load_idx %arg6[%get3A_277] : memref<10240xf32, #tpu.memory_space<vmem>>[vector<16xi32>], vector<16xf32>,
      %add3A_280 = arith.addf %gather3A_278, %gather3A_279 : vector<16xf32>
      %neg3A_281 = arith.constant 0.000000e+00 : f32
      %neg3A_282 = vector.broadcast %neg3A_281 : f32 to vector<16xf32>
      %neg3A_283 = arith.subf %neg3A_282, %add3A_280 : vector<16xf32>
      %exp3A_284 = math.exp %neg3A_283 : vector<16xf32>
      %add3A_285 = arith.constant 1.000000e+00 : f32
      %add3A_286 = vector.broadcast %add3A_285 : f32 to vector<16xf32>
      %add3A_287 = arith.addf %add3A_286, %exp3A_284 : vector<16xf32>
      %div3A_288 = arith.constant 1.000000e+00 : f32
      %div3A_289 = vector.broadcast %div3A_288 : f32 to vector<16xf32>
      %div3A_290 = arith.divf %div3A_289, %add3A_287 : vector<16xf32>
      %swap3A_291 = arith.constant 5040 : index
      %swap3A_292 = tpu.vector_load %arg8[%swap3A_291] {strides = array<i32>} : memref<5120xf32, #tpu.memory_space<vmem>>, vector<16xf32>,
      tpu.vector_store %arg8[%swap3A_291], %div3A_290 {strides = array<i32>} : memref<5120xf32, #tpu.memory_space<vmem>>, vector<16xf32>,
      %sub3A_293 = arith.constant 1.000000e+00 : f32
      %sub3A_294 = vector.broadcast %sub3A_293 : f32 to vector<16xf32>
      %sub3A_295 = arith.subf %sub3A_294, %div3A_290 : vector<16xf32>
      %swap3A_296 = arith.constant 5040 : index
      %swap3A_297 = tpu.vector_load %arg9[%swap3A_296] {strides = array<i32>} : memref<5120xf32, #tpu.memory_space<vmem>>, vector<16xf32>,
      tpu.vector_store %arg9[%swap3A_296], %sub3A_295 {strides = array<i32>} : memref<5120xf32, #tpu.memory_space<vmem>>, vector<16xf32>,
      %get3A_298 = arith.constant 0 : i32
      %get3A_299 = arith.index_cast %get3A_298 : i32 to index
      %get3A_300 = arith.constant 5056 : index
      %get3A_301 = tpu.vector_load %arg7[%get3A_299, %get3A_300] {strides = array<i32>} : memref<2x5120xi32, #tpu.memory_space<vmem>>, vector<16xi32>,
      %get3A_302 = arith.constant 1 : i32
      %get3A_303 = arith.index_cast %get3A_302 : i32 to index
      %get3A_304 = arith.constant 5056 : index
      %get3A_305 = tpu.vector_load %arg7[%get3A_303, %get3A_304] {strides = array<i32>} : memref<2x5120xi32, #tpu.memory_space<vmem>>, vector<16xi32>,
      %gather3A_306 = tpu.vector_load_idx %arg6[%get3A_301] : memref<10240xf32, #tpu.memory_space<vmem>>[vector<16xi32>], vector<16xf32>,
      %gather3A_307 = tpu.vector_load_idx %arg6[%get3A_305] : memref<10240xf32, #tpu.memory_space<vmem>>[vector<16xi32>], vector<16xf32>,
      %add3A_308 = arith.addf %gather3A_306, %gather3A_307 : vector<16xf32>
      %neg3A_309 = arith.constant 0.000000e+00 : f32
      %neg3A_310 = vector.broadcast %neg3A_309 : f32 to vector<16xf32>
      %neg3A_311 = arith.subf %neg3A_310, %add3A_308 : vector<16xf32>
      %exp3A_312 = math.exp %neg3A_311 : vector<16xf32>
      %add3A_313 = arith.constant 1.000000e+00 : f32
      %add3A_314 = vector.broadcast %add3A_313 : f32 to vector<16xf32>
      %add3A_315 = arith.addf %add3A_314, %exp3A_312 : vector<16xf32>
      %div3A_316 = arith.constant 1.000000e+00 : f32
      %div3A_317 = vector.broadcast %div3A_316 : f32 to vector<16xf32>
      %div3A_318 = arith.divf %div3A_317, %add3A_315 : vector<16xf32>
      %swap3A_319 = arith.constant 5056 : index
      %swap3A_320 = tpu.vector_load %arg8[%swap3A_319] {strides = array<i32>} : memref<5120xf32, #tpu.memory_space<vmem>>, vector<16xf32>,
      tpu.vector_store %arg8[%swap3A_319], %div3A_318 {strides = array<i32>} : memref<5120xf32, #tpu.memory_space<vmem>>, vector<16xf32>,
      %sub3A_321 = arith.constant 1.000000e+00 : f32
      %sub3A_322 = vector.broadcast %sub3A_321 : f32 to vector<16xf32>
      %sub3A_323 = arith.subf %sub3A_322, %div3A_318 : vector<16xf32>
      %swap3A_324 = arith.constant 5056 : index
      %swap3A_325 = tpu.vector_load %arg9[%swap3A_324] {strides = array<i32>} : memref<5120xf32, #tpu.memory_space<vmem>>, vector<16xf32>,
      tpu.vector_store %arg9[%swap3A_324], %sub3A_323 {strides = array<i32>} : memref<5120xf32, #tpu.memory_space<vmem>>, vector<16xf32>,
      %get3A_326 = arith.constant 0 : i32
      %get3A_327 = arith.index_cast %get3A_326 : i32 to index
      %get3A_328 = arith.constant 5072 : index
      %get3A_329 = tpu.vector_load %arg7[%get3A_327, %get3A_328] {strides = array<i32>} : memref<2x5120xi32, #tpu.memory_space<vmem>>, vector<16xi32>,
      %get3A_330 = arith.constant 1 : i32
      %get3A_331 = arith.index_cast %get3A_330 : i32 to index
      %get3A_332 = arith.constant 5072 : index
      %get3A_333 = tpu.vector_load %arg7[%get3A_331, %get3A_332] {strides = array<i32>} : memref<2x5120xi32, #tpu.memory_space<vmem>>, vector<16xi32>,
      %gather3A_334 = tpu.vector_load_idx %arg6[%get3A_329] : memref<10240xf32, #tpu.memory_space<vmem>>[vector<16xi32>], vector<16xf32>,
      %gather3A_335 = tpu.vector_load_idx %arg6[%get3A_333] : memref<10240xf32, #tpu.memory_space<vmem>>[vector<16xi32>], vector<16xf32>,
      %add3A_336 = arith.addf %gather3A_334, %gather3A_335 : vector<16xf32>
      %neg3A_337 = arith.constant 0.000000e+00 : f32
      %neg3A_338 = vector.broadcast %neg3A_337 : f32 to vector<16xf32>
      %neg3A_339 = arith.subf %neg3A_338, %add3A_336 : vector<16xf32>
      %exp3A_340 = math.exp %neg3A_339 : vector<16xf32>
      %add3A_341 = arith.constant 1.000000e+00 : f32
      %add3A_342 = vector.broadcast %add3A_341 : f32 to vector<16xf32>
      %add3A_343 = arith.addf %add3A_342, %exp3A_340 : vector<16xf32>
      %div3A_344 = arith.constant 1.000000e+00 : f32
      %div3A_345 = vector.broadcast %div3A_344 : f32 to vector<16xf32>
      %div3A_346 = arith.divf %div3A_345, %add3A_343 : vector<16xf32>
      %swap3A_347 = arith.constant 5072 : index
      %swap3A_348 = tpu.vector_load %arg8[%swap3A_347] {strides = array<i32>} : memref<5120xf32, #tpu.memory_space<vmem>>, vector<16xf32>,
      tpu.vector_store %arg8[%swap3A_347], %div3A_346 {strides = array<i32>} : memref<5120xf32, #tpu.memory_space<vmem>>, vector<16xf32>,
      %sub3A_349 = arith.constant 1.000000e+00 : f32
      %sub3A_350 = vector.broadcast %sub3A_349 : f32 to vector<16xf32>
      %sub3A_351 = arith.subf %sub3A_350, %div3A_346 : vector<16xf32>
      %swap3A_352 = arith.constant 5072 : index
      %swap3A_353 = tpu.vector_load %arg9[%swap3A_352] {strides = array<i32>} : memref<5120xf32, #tpu.memory_space<vmem>>, vector<16xf32>,
      tpu.vector_store %arg9[%swap3A_352], %sub3A_351 {strides = array<i32>} : memref<5120xf32, #tpu.memory_space<vmem>>, vector<16xf32>,
      %get3A_354 = arith.constant 0 : i32
      %get3A_355 = arith.index_cast %get3A_354 : i32 to index
      %get3A_356 = arith.constant 5088 : index
      %get3A_357 = tpu.vector_load %arg7[%get3A_355, %get3A_356] {strides = array<i32>} : memref<2x5120xi32, #tpu.memory_space<vmem>>, vector<16xi32>,
      %get3A_358 = arith.constant 1 : i32
      %get3A_359 = arith.index_cast %get3A_358 : i32 to index
      %get3A_360 = arith.constant 5088 : index
      %get3A_361 = tpu.vector_load %arg7[%get3A_359, %get3A_360] {strides = array<i32>} : memref<2x5120xi32, #tpu.memory_space<vmem>>, vector<16xi32>,
      %gather3A_362 = tpu.vector_load_idx %arg6[%get3A_357] : memref<10240xf32, #tpu.memory_space<vmem>>[vector<16xi32>], vector<16xf32>,
      %gather3A_363 = tpu.vector_load_idx %arg6[%get3A_361] : memref<10240xf32, #tpu.memory_space<vmem>>[vector<16xi32>], vector<16xf32>,
      %add3A_364 = arith.addf %gather3A_362, %gather3A_363 : vector<16xf32>
      %neg3A_365 = arith.constant 0.000000e+00 : f32
      %neg3A_366 = vector.broadcast %neg3A_365 : f32 to vector<16xf32>
      %neg3A_367 = arith.subf %neg3A_366, %add3A_364 : vector<16xf32>
      %exp3A_368 = math.exp %neg3A_367 : vector<16xf32>
      %add3A_369 = arith.constant 1.000000e+00 : f32
      %add3A_370 = vector.broadcast %add3A_369 : f32 to vector<16xf32>
      %add3A_371 = arith.addf %add3A_370, %exp3A_368 : vector<16xf32>
      %div3A_372 = arith.constant 1.000000e+00 : f32
      %div3A_373 = vector.broadcast %div3A_372 : f32 to vector<16xf32>
      %div3A_374 = arith.divf %div3A_373, %add3A_371 : vector<16xf32>
      %swap3A_375 = arith.constant 5088 : index
      %swap3A_376 = tpu.vector_load %arg8[%swap3A_375] {strides = array<i32>} : memref<5120xf32, #tpu.memory_space<vmem>>, vector<16xf32>,
      tpu.vector_store %arg8[%swap3A_375], %div3A_374 {strides = array<i32>} : memref<5120xf32, #tpu.memory_space<vmem>>, vector<16xf32>,
      %sub3A_377 = arith.constant 1.000000e+00 : f32
      %sub3A_378 = vector.broadcast %sub3A_377 : f32 to vector<16xf32>
      %sub3A_379 = arith.subf %sub3A_378, %div3A_374 : vector<16xf32>
      %swap3A_380 = arith.constant 5088 : index
      %swap3A_381 = tpu.vector_load %arg9[%swap3A_380] {strides = array<i32>} : memref<5120xf32, #tpu.memory_space<vmem>>, vector<16xf32>,
      tpu.vector_store %arg9[%swap3A_380], %sub3A_379 {strides = array<i32>} : memref<5120xf32, #tpu.memory_space<vmem>>, vector<16xf32>,
      %get3A_382 = arith.constant 0 : i32
      %get3A_383 = arith.index_cast %get3A_382 : i32 to index
      %get3A_384 = arith.constant 5104 : index
      %get3A_385 = tpu.vector_load %arg7[%get3A_383, %get3A_384] {strides = array<i32>} : memref<2x5120xi32, #tpu.memory_space<vmem>>, vector<16xi32>,
      %get3A_386 = arith.constant 1 : i32
      %get3A_387 = arith.index_cast %get3A_386 : i32 to index
      %get3A_388 = arith.constant 5104 : index
      %get3A_389 = tpu.vector_load %arg7[%get3A_387, %get3A_388] {strides = array<i32>} : memref<2x5120xi32, #tpu.memory_space<vmem>>, vector<16xi32>,
      %gather3A_390 = tpu.vector_load_idx %arg6[%get3A_385] : memref<10240xf32, #tpu.memory_space<vmem>>[vector<16xi32>], vector<16xf32>,
      %gather3A_391 = tpu.vector_load_idx %arg6[%get3A_389] : memref<10240xf32, #tpu.memory_space<vmem>>[vector<16xi32>], vector<16xf32>,
      %add3A_392 = arith.addf %gather3A_390, %gather3A_391 : vector<16xf32>
      %neg3A_393 = arith.constant 0.000000e+00 : f32
      %neg3A_394 = vector.broadcast %neg3A_393 : f32 to vector<16xf32>
      %neg3A_395 = arith.subf %neg3A_394, %add3A_392 : vector<16xf32>
      %exp3A_396 = math.exp %neg3A_395 : vector<16xf32>
      %add3A_397 = arith.constant 1.000000e+00 : f32
      %add3A_398 = vector.broadcast %add3A_397 : f32 to vector<16xf32>
      %add3A_399 = arith.addf %add3A_398, %exp3A_396 : vector<16xf32>
      %div3A_400 = arith.constant 1.000000e+00 : f32
      %div3A_401 = vector.broadcast %div3A_400 : f32 to vector<16xf32>
      %div3A_402 = arith.divf %div3A_401, %add3A_399 : vector<16xf32>
      %swap3A_403 = arith.constant 5104 : index
      %swap3A_404 = tpu.vector_load %arg8[%swap3A_403] {strides = array<i32>} : memref<5120xf32, #tpu.memory_space<vmem>>, vector<16xf32>,
      tpu.vector_store %arg8[%swap3A_403], %div3A_402 {strides = array<i32>} : memref<5120xf32, #tpu.memory_space<vmem>>, vector<16xf32>,
      %sub3A_405 = arith.constant 1.000000e+00 : f32
      %sub3A_406 = vector.broadcast %sub3A_405 : f32 to vector<16xf32>
      %sub3A_407 = arith.subf %sub3A_406, %div3A_402 : vector<16xf32>
      %swap3A_408 = arith.constant 5104 : index
      %swap3A_409 = tpu.vector_load %arg9[%swap3A_408] {strides = array<i32>} : memref<5120xf32, #tpu.memory_space<vmem>>, vector<16xf32>,
      tpu.vector_store %arg9[%swap3A_408], %sub3A_407 {strides = array<i32>} : memref<5120xf32, #tpu.memory_space<vmem>>, vector<16xf32>,
      %dma_start3A_410 = arith.constant 4992 : i32
      %dma_start3A_411 = tpu.memref_slice %arg8[%dma_start3A_410] : memref<5120xf32, #tpu.memory_space<vmem>> -> memref<128xf32, #tpu.memory_space<vmem>>
      %dma_start3A_412 = tpu.memref_slice %arg4[%add3A_172] : memref<160000xf32, #tpu.memory_space<hbm>> -> memref<128xf32, #tpu.memory_space<hbm>>
      %dma_start3A_413 = tpu.memref_slice %arg4[%add3A_172] : memref<160000xf32, #tpu.memory_space<hbm>> -> memref<128xf32, #tpu.memory_space<hbm>>
      %dma_start3A_414 = arith.constant 4992 : i32
      %dma_start3A_415 = tpu.memref_slice %arg8[%dma_start3A_414] : memref<5120xf32, #tpu.memory_space<vmem>> -> memref<128xf32, #tpu.memory_space<vmem>>
      tpu.enqueue_dma source(%dma_start3A_415 : memref<128xf32, #tpu.memory_space<vmem>>) target(%dma_start3A_413 : memref<128xf32, #tpu.memory_space<hbm>>) target_semaphore(%arg12 : memref<!tpu.dma_semaphore, #tpu.memory_space<semaphore_mem>>)
      %dma_start3A_416 = arith.constant 4992 : i32
      %dma_start3A_417 = tpu.memref_slice %arg9[%dma_start3A_416] : memref<5120xf32, #tpu.memory_space<vmem>> -> memref<128xf32, #tpu.memory_space<vmem>>
      %dma_start3A_418 = tpu.memref_slice %arg5[%add3A_172] : memref<160000xf32, #tpu.memory_space<hbm>> -> memref<128xf32, #tpu.memory_space<hbm>>
      %dma_start3A_419 = tpu.memref_slice %arg5[%add3A_172] : memref<160000xf32, #tpu.memory_space<hbm>> -> memref<128xf32, #tpu.memory_space<hbm>>
      %dma_start3A_420 = arith.constant 4992 : i32
      %dma_start3A_421 = tpu.memref_slice %arg9[%dma_start3A_420] : memref<5120xf32, #tpu.memory_space<vmem>> -> memref<128xf32, #tpu.memory_space<vmem>>
      tpu.enqueue_dma source(%dma_start3A_421 : memref<128xf32, #tpu.memory_space<vmem>>) target(%dma_start3A_419 : memref<128xf32, #tpu.memory_space<hbm>>) target_semaphore(%arg13 : memref<!tpu.dma_semaphore, #tpu.memory_space<semaphore_mem>>)
      %dma_wait3A_422 = arith.constant 4992 : i32
      %dma_wait3A_423 = tpu.memref_slice %arg8[%dma_wait3A_422] : memref<5120xf32, #tpu.memory_space<vmem>> -> memref<128xf32, #tpu.memory_space<vmem>>
      %dma_wait3A_424 = tpu.memref_slice %arg4[%add3A_172] : memref<160000xf32, #tpu.memory_space<hbm>> -> memref<128xf32, #tpu.memory_space<hbm>>
      %dma_wait3A_425 = tpu.memref_slice %arg4[%add3A_172] : memref<160000xf32, #tpu.memory_space<hbm>> -> memref<128xf32, #tpu.memory_space<hbm>>
      %dma_wait3A_426 = arith.constant 4992 : i32
      %dma_wait3A_427 = tpu.memref_slice %arg8[%dma_wait3A_426] : memref<5120xf32, #tpu.memory_space<vmem>> -> memref<128xf32, #tpu.memory_space<vmem>>
      tpu.wait_dma2 semaphore(%arg12 : memref<!tpu.dma_semaphore, #tpu.memory_space<semaphore_mem>>) src(%dma_wait3A_427 : memref<128xf32, #tpu.memory_space<vmem>>) dst(%dma_wait3A_425 : memref<128xf32, #tpu.memory_space<hbm>>)
      %dma_wait3A_428 = arith.constant 4992 : i32
      %dma_wait3A_429 = tpu.memref_slice %arg9[%dma_wait3A_428] : memref<5120xf32, #tpu.memory_space<vmem>> -> memref<128xf32, #tpu.memory_space<vmem>>
      %dma_wait3A_430 = tpu.memref_slice %arg5[%add3A_172] : memref<160000xf32, #tpu.memory_space<hbm>> -> memref<128xf32, #tpu.memory_space<hbm>>
      %dma_wait3A_431 = tpu.memref_slice %arg5[%add3A_172] : memref<160000xf32, #tpu.memory_space<hbm>> -> memref<128xf32, #tpu.memory_space<hbm>>
      %dma_wait3A_432 = arith.constant 4992 : i32
      %dma_wait3A_433 = tpu.memref_slice %arg9[%dma_wait3A_432] : memref<5120xf32, #tpu.memory_space<vmem>> -> memref<128xf32, #tpu.memory_space<vmem>>
      tpu.wait_dma2 semaphore(%arg13 : memref<!tpu.dma_semaphore, #tpu.memory_space<semaphore_mem>>) src(%dma_wait3A_433 : memref<128xf32, #tpu.memory_space<vmem>>) dst(%dma_wait3A_431 : memref<128xf32, #tpu.memory_space<hbm>>)
    } else {
    }
    %dma_wait3A_157 = arith.constant 0 : i32
    %dma_wait3A_158 = tpu.memref_slice %arg8[%dma_wait3A_157] : memref<5120xf32, #tpu.memory_space<vmem>> -> memref<4992xf32, #tpu.memory_space<vmem>>
    %dma_wait3A_159 = tpu.memref_slice %arg4[%mul3A_2] : memref<160000xf32, #tpu.memory_space<hbm>> -> memref<4992xf32, #tpu.memory_space<hbm>>
    %dma_wait3A_160 = tpu.memref_slice %arg4[%mul3A_2] : memref<160000xf32, #tpu.memory_space<hbm>> -> memref<4992xf32, #tpu.memory_space<hbm>>
    %dma_wait3A_161 = arith.constant 0 : i32
    %dma_wait3A_162 = tpu.memref_slice %arg8[%dma_wait3A_161] : memref<5120xf32, #tpu.memory_space<vmem>> -> memref<4992xf32, #tpu.memory_space<vmem>>
    tpu.wait_dma2 semaphore(%arg10 : memref<!tpu.dma_semaphore, #tpu.memory_space<semaphore_mem>>) src(%dma_wait3A_162 : memref<4992xf32, #tpu.memory_space<vmem>>) dst(%dma_wait3A_160 : memref<4992xf32, #tpu.memory_space<hbm>>)
    %dma_wait3A_163 = arith.constant 0 : i32
    %dma_wait3A_164 = tpu.memref_slice %arg9[%dma_wait3A_163] : memref<5120xf32, #tpu.memory_space<vmem>> -> memref<4992xf32, #tpu.memory_space<vmem>>
    %dma_wait3A_165 = tpu.memref_slice %arg5[%mul3A_2] : memref<160000xf32, #tpu.memory_space<hbm>> -> memref<4992xf32, #tpu.memory_space<hbm>>
    %dma_wait3A_166 = tpu.memref_slice %arg5[%mul3A_2] : memref<160000xf32, #tpu.memory_space<hbm>> -> memref<4992xf32, #tpu.memory_space<hbm>>
    %dma_wait3A_167 = arith.constant 0 : i32
    %dma_wait3A_168 = tpu.memref_slice %arg9[%dma_wait3A_167] : memref<5120xf32, #tpu.memory_space<vmem>> -> memref<4992xf32, #tpu.memory_space<vmem>>
    tpu.wait_dma2 semaphore(%arg11 : memref<!tpu.dma_semaphore, #tpu.memory_space<semaphore_mem>>) src(%dma_wait3A_168 : memref<4992xf32, #tpu.memory_space<vmem>>) dst(%dma_wait3A_166 : memref<4992xf32, #tpu.memory_space<hbm>>)
    return
  }
}

module attributes {stable_mosaic.version = 14 : i64} {
  func.func @_matvec_body(%arg0: i32, %arg1: memref<2048x256xf32, #tpu.memory_space<vmem>>, %arg2: memref<2x256xf32, #tpu.memory_space<vmem>>, %arg3: memref<1x2xf32, #tpu.memory_space<vmem>>, %arg4: memref<1x1x2048xf32, #tpu.memory_space<vmem>>) attributes {dimension_semantics = [#tpu.dimension_semantics<arbitrary>], iteration_bounds = array<i64: 5>, scalar_prefetch = 0 : i64, scratch_operands = 0 : i64, tpu.core_type = #tpu.core_type<tc>, window_params = [{transform_indices = @transform_0, window_bounds = array<i64: 2048, 256>}, {pipeline_mode = #tpu.pipeline_mode<synchronous>, transform_indices = @transform_1, window_bounds = array<i64: 2, 256>}, {pipeline_mode = #tpu.pipeline_mode<synchronous>, transform_indices = @transform_2, window_bounds = array<i64: 1, 2>}, {transform_indices = @transform_3, window_bounds = array<i64: 1, 1, 2048>}]} {
    %get3A = arith.constant 0 : index
    %get3A_0 = arith.constant 0 : index
    %get3A_1 = vector.load %arg2[%get3A, %get3A_0] : memref<2x256xf32, #tpu.memory_space<vmem>>, vector<1x256xf32>
    %get3A_2 = arith.constant 1 : index
    %get3A_3 = arith.constant 0 : index
    %get3A_4 = vector.load %arg2[%get3A_2, %get3A_3] : memref<2x256xf32, #tpu.memory_space<vmem>>, vector<1x256xf32>
    %sub3A = arith.subf %get3A_1, %get3A_4 : vector<1x256xf32>
    %get3A_5 = arith.constant 0 : index
    %get3A_6 = arith.constant 0 : index
    %get3A_7 = vector.load %arg3[%get3A_5, %get3A_6] : memref<1x2xf32, #tpu.memory_space<vmem>>, vector<1x1xf32>
    %get3A_8 = vector.extract %get3A_7[0, 0] : f32 from vector<1x1xf32>
    %get3A_9 = arith.constant 0 : index
    %get3A_10 = arith.constant 1 : index
    %get3A_11 = vector.load %arg3[%get3A_9, %get3A_10] : memref<1x2xf32, #tpu.memory_space<vmem>>, vector<1x1xf32>
    %get3A_12 = vector.extract %get3A_11[0, 0] : f32 from vector<1x1xf32>
    %sub3A_13 = arith.subf %get3A_8, %get3A_12 : f32
    %mul3A = arith.constant 5.000000e-01 : f32
    %mul3A_14 = arith.mulf %sub3A_13, %mul3A : f32
    %get3A_15 = arith.constant 0 : index
    %get3A_16 = arith.constant 0 : index
    %get3A_17 = vector.load %arg1[%get3A_15, %get3A_16] : memref<2048x256xf32, #tpu.memory_space<vmem>>, vector<2048x256xf32>
    %dot_general3A = arith.constant dense<0.000000e+00> : vector<1x2048xf32>
    %dot_general3A_18 = tpu.matmul %sub3A, %get3A_17, %dot_general3A {dimension_numbers = #tpu.dot_dimension_numbers<[1], [1], [0], [0], [0, 0, 1, 0], [], []>, transpose_lhs_hint = false} : vector<1x256xf32>, vector<2048x256xf32>, vector<1x2048xf32> -> vector<1x2048xf32>
    %add3A = vector.broadcast %mul3A_14 : f32 to vector<1x2048xf32>
    %add3A_19 = arith.addf %dot_general3A_18, %add3A : vector<1x2048xf32>
    %reshape3A = vector.shape_cast %add3A_19 : vector<1x2048xf32> to vector<1x1x2048xf32>
    %swap3A = arith.constant 0 : index
    %swap3A_20 = arith.constant 0 : index
    %swap3A_21 = arith.constant 0 : index
    %swap3A_22 = vector.load %arg4[%swap3A, %swap3A_20, %swap3A_21] : memref<1x1x2048xf32, #tpu.memory_space<vmem>>, vector<1x1x2048xf32>
    tpu.vector_store %arg4[%swap3A, %swap3A_20, %swap3A_21], %reshape3A {strides = array<i32>} : memref<1x1x2048xf32, #tpu.memory_space<vmem>>, vector<1x1x2048xf32>,
    return
  }
  func.func @transform_0(%arg0: i32) -> (i32, i32) {
    %c0_i32 = arith.constant 0 : i32
    %c0_i32_0 = arith.constant 0 : i32
    return %arg0, %c0_i32 : i32, i32
  }
  func.func @transform_1(%arg0: i32) -> (i32, i32) {
    %c0_i32 = arith.constant 0 : i32
    %c0_i32_0 = arith.constant 0 : i32
    %c0_i32_1 = arith.constant 0 : i32
    return %c0_i32, %c0_i32_0 : i32, i32
  }
  func.func @transform_2(%arg0: i32) -> (i32, i32) {
    %c0_i32 = arith.constant 0 : i32
    %c0_i32_0 = arith.constant 0 : i32
    %c0_i32_1 = arith.constant 0 : i32
    return %c0_i32, %c0_i32_0 : i32, i32
  }
  func.func @transform_3(%arg0: i32) -> (i32, i32, i32) {
    %c0_i32 = arith.constant 0 : i32
    %c0_i32_0 = arith.constant 0 : i32
    %c0_i32_1 = arith.constant 0 : i32
    return %arg0, %c0_i32, %c0_i32_0 : i32, i32, i32
  }
}

</mosaic_0001>

<sc_bundles>
// kernel: kernel.4.cloned.1.call-start
scs
__scs_entry_jumppad:
0x0: {  	(pc) =	sbr.rel $0x88, $3  }
0x1: {  	(tag) =	ssettag $0x0;
	lr =	simm.s32 $0x1  }
0x2: {  	[smem:$0x3F9D] =	sst lr;
	_ =	strace $0xD0000000  }
0x3: {  	_ = 	snop  }
0x4: {  	_ = 	snop  }
0x5: {  	_ = 	snop  }
0x6: {  	_ = 	snop  }
0x7: {  	_ = 	snop  }
__scs_overlays_trampoline_lowered:
0x8: {  	[smem:$0x3FAC] =	sst s0  }
0x9: {  	[smem:$0x3FAD] =	sst s1  }
0xa: {  	[smem:$0x3FAE] =	sst s2  }
0xb: {  	[smem:$0x3FAF] =	sst s3  }
0xc: {  	[smem:$0x3FB0] =	sst s4  }
0xd: {  	[smem:$0x3FB1] =	sst s5  }
0xe: {  	[smem:$0x3FB2] =	sst s6  }
0xf: {  	[smem:$0x3FB3] =	sst s7  }
0x10: {  	[smem:$0x3FB4] =	sst s8  }
0x11: {  	[smem:$0x3FB5] =	sst s9;
	s0 =	simm.s32 @!p0 $0x0  }
0x12: {  	s1 =	sld [smem:$0x3F9B];
	s0 =	simm.s32 @p0 $0x1  }
0x13: {  	[smem:$0x3FB6] =	sst s0;
	s0 =	simm.s32 @!p1 $0x0  }
0x14: {  	s2 =	sld [smem:$0x3F9A];
	s0 =	simm.s32 @p1 $0x1  }
0x15: {  	[smem:$0x3FB7] =	sst s0;
	s0 =	simm.s32 @!p2 $0x0  }
0x16: {  	s3 =	sld [smem:$0x3FDB];
	s0 =	simm.s32 @p2 $0x1  }
0x17: {  	s4 =	simm.s32 $0x1BF5;
	[smem:$0x3FB9] =	sst s0  }
0x18: {  	s0 =	sld [smem:$0x3F9C];
	_ =	swait.ge [sflag:s4], $0x0  }
0x19: {  	s7 =	sld [smem:$0x3F9D]  }
0x1a: {  	s8 =	sadd.s32 $0xFFFFE003, lr  }
0x1b: {  	s9 =	sadd.s32 $0xFFFFFEF7, lr;
	s5 =	simm.s32 $0xFFFFFFFF;
	p2 =	slt.u32 s8, $0xFFFFF086  }
0x1c: {  	p1 =	slt.u32 s9, $0xF7A;
	s5 =	simm.s32 @!p2 $0x0  }
0x1d: {  	s5 =	simm.s32 @p1 $0x1;
	p0 =	seq.s32 s7, s2  }
0x1e: {  	s7 =	smul.u32 @!p0 $0xF7A, s2;
	p2 =	seq.s32 @!p0 s5, $0x0  }
0x1f: {  	s9 =	smul.u32 $0xF7A, s1;
	s8 =	simm.s32 @!p0 $0x1BF5;
	p2 =	por !p2, p0  }
0x20: {  	[sflag:s8] =	ssyncset.s32 @!p0 $0xFFFFF086;
	s6 =	sadd.s32 @!p0 s3, s7;
	s7 =	simm.s32 @!p0 $0x108  }
0x21: {  	s3 =	sadd.s32 s3, s9;
	s6 =	sadd.s32 @!p0 $0x88, s6;
	s7 =	simm.s32 @p2 $0x1082  }
0x22: {  	[simem:s7], [sflag:s8] =	dma.local @!p0 [hbm:s6], $0xF7A  }
0x23: {  	s9 =	sor.u32 $0xD0000000, s2;
	s6 =	simm.s32 $0x108;
	_ =	swait.ge @!p0 [sflag:s8], $0x0  }
0x24: {  	s3 =	sadd.s32 $0x88, s3;
	s6 =	simm.s32 @!p1 $0x1082;
	[sflag:s4] =	ssyncset.s32 $0xFFFFF086  }
0x25: {  	[simem:s6], [sflag:s4] =	dma.local [hbm:s3], $0xF7A  }
0x26: {  	[smem:$0x3F9D] =	sst s1;
	(tag) =	ssettag s2;
	_ =	strace s9  }
0x27: {  	s1 =	sld [smem:$0x3FAD]  }
0x28: {  	s2 =	sld [smem:$0x3FAE]  }
0x29: {  	s4 =	sld [smem:$0x3FB0]  }
0x2a: {  	p0 =	seq.s32 s5, $0x0;
	s5 =	sld [smem:$0x3FB1]  }
0x2b: {  	s6 =	sld [smem:$0x3FB2]  }
0x2c: {  	s7 =	sld [smem:$0x3FB3]  }
0x2d: {  	s3 =	simm.s32 $0x108;
	s8 =	sld [smem:$0x3FB4]  }
0x2e: {  	s3 =	simm.s32 @!p0 $0x1082;
	s9 =	sld [smem:$0x3FB5]  }
0x2f: {  	lr =	sadd.s32 s0, s3;
	s0 =	sld [smem:$0x3FAC]  }
0x30: {  	s3 =	sld [smem:$0x3FAF]  }
0x31: {  	[smem:$0x3FB8] =	sst s10  }
0x32: {  	s10 =	sld [smem:$0x3FB6];
	_ =	sdelay $0x3  }
0x33: {  	p0 =	seq.s32 s10, $0x1;
	s10 =	sld [smem:$0x3FB8];
	_ =	sdelay $0x3  }
0x34: {  	[smem:$0x3FB8] =	sst s10  }
0x35: {  	s10 =	sld [smem:$0x3FB7];
	_ =	sdelay $0x3  }
0x36: {  	p1 =	seq.s32 s10, $0x1;
	s10 =	sld [smem:$0x3FB8];
	_ =	sdelay $0x3  }
0x37: {  	[smem:$0x3FB8] =	sst s10  }
0x38: {  	s10 =	sld [smem:$0x3FB9]  }
0x39: {  	_ = 	snop;
	(pc) =	sbr.ind lr, $3  }
0x3a: {  	_ = 	snop  }
0x3b: {  	_ = 	snop  }
0x3c: {  	p2 =	seq.s32 s10, $0x1;
	s10 =	sld [smem:$0x3FB8]  }
0x3d: {  	_ =	shalt  }
0x3e: {  	_ =	shalt  }
0x3f: {  	_ =	shalt  }
0x40: {  	_ =	shalt  }
0x41: {  	_ =	shalt  }
0x42: {  	_ =	shalt  }
0x43: {  	_ =	shalt  }
0x44: {  	_ =	shalt  }
0x45: {  	_ =	shalt  }
0x46: {  	_ =	shalt  }
0x47: {  	_ =	shalt  }
0x48: {  	_ =	shalt  }
0x49: {  	_ =	shalt  }
0x4a: {  	_ =	shalt  }
0x4b: {  	_ =	shalt  }
0x4c: {  	_ =	shalt  }
0x4d: {  	_ =	shalt  }
0x4e: {  	_ =	shalt  }
0x4f: {  	_ =	shalt  }
0x50: {  	_ =	shalt  }
0x51: {  	_ =	shalt  }
0x52: {  	_ =	shalt  }
0x53: {  	_ =	shalt  }
0x54: {  	_ =	shalt  }
0x55: {  	_ =	shalt  }
0x56: {  	_ =	shalt  }
0x57: {  	_ =	shalt  }
0x58: {  	_ =	shalt  }
0x59: {  	_ =	shalt  }
0x5a: {  	_ =	shalt  }
0x5b: {  	_ =	shalt  }
0x5c: {  	_ =	shalt  }
0x5d: {  	_ =	shalt  }
0x5e: {  	_ =	shalt  }
0x5f: {  	_ =	shalt  }
0x60: {  	_ =	shalt  }
0x61: {  	_ =	shalt  }
0x62: {  	_ =	shalt  }
0x63: {  	_ =	shalt  }
0x64: {  	_ =	shalt  }
0x65: {  	_ =	shalt  }
0x66: {  	_ =	shalt  }
0x67: {  	_ =	shalt  }
0x68: {  	_ =	shalt  }
0x69: {  	_ =	shalt  }
0x6a: {  	_ =	shalt  }
0x6b: {  	_ =	shalt  }
0x6c: {  	_ =	shalt  }
0x6d: {  	_ =	shalt  }
0x6e: {  	_ =	shalt  }
0x6f: {  	_ =	shalt  }
0x70: {  	_ =	shalt  }
0x71: {  	_ =	shalt  }
0x72: {  	_ =	shalt  }
0x73: {  	_ =	shalt  }
0x74: {  	_ =	shalt  }
0x75: {  	_ =	shalt  }
0x76: {  	_ =	shalt  }
0x77: {  	_ =	shalt  }
0x78: {  	_ =	shalt  }
0x79: {  	_ =	shalt  }
0x7a: {  	_ =	shalt  }
0x7b: {  	_ =	shalt  }
0x7c: {  	_ =	shalt  }
0x7d: {  	_ =	shalt  }
0x7e: {  	_ =	shalt  }
0x7f: {  	_ =	shalt  }
0x80: {  	_ =	shalt  }
0x81: {  	_ =	shalt  }
0x82: {  	_ =	shalt  }
0x83: {  	_ =	shalt  }
0x84: {  	_ =	shalt  }
0x85: {  	_ =	shalt  }
0x86: {  	_ =	shalt  }
0x87: {  	_ =	shalt  }
.Lfunc_end0:
.L_simem_size_0:
called_computation_lowered:
.L_overlay_start_0:
0x88: {  	s2 =	sld [smem:$0x3FD9]  }
0x89: {  	s3 =	sld [smem:$0x3FFE];
	_ =	sdelay $0x1  }
0x8a: {  	s1 =	srdreg.scid  }
0x8b: {  	s0 =	sand.u32 $0x1, s1  }
0x8c: {  	s14 =	sshll.u32 s0, $0xA;
	s2 =	sadd.s32 s3, s2  }
0x8d: {  	s2 =	sadd.s32 s2, s14  }
0x8e: {  	[smem:$0x3FC4] =	sst s2  }
0x8f: {  	_ = 	snop  }
0x90: {  	s2 =	sld [smem:$0x3FD0];
	_ =	sdelay $0x2  }
0x91: {  	s4 =	simm.s32 $0xA;
	s5 =	simm.s32 $0x10;
	s15 =	sld [smem:$0x3FC8]  }
0x92: {  	[smem:s5], [sflag:s4] =	dma.local [hbm:s2], $0x1  }
0x93: {  	_ =	swait.eq [sflag:s4], $0x1  }
0x94: {  	[sflag:s4] =	ssyncset.done $0x0  }
0x95: {  	s16 =	sld [smem:$0x10];
	[sflag:s4] =	ssyncadd.s32 $0xFFFFFFFF  }
0x96: {  	s17 =	sld [smem:$0x11];
	(tm) =	ssettm $0x1  }
0x97: {  	s18 =	sld [smem:$0x3FFB];
	_ =	sdelay $0x3  }
0x98: {  	_ =	strace s18  }
0x99: {  	s5 =	sld [smem:$0x3FFC];
	_ =	sdelay $0x3  }
0x9a: {  	_ =	strace s5  }
0x9b: {  	s5 =	sld [smem:$0x3FFD];
	_ =	sdelay $0x3  }
0x9c: {  	_ =	strace s5  }
0x9d: {  	_ =	strace $0x8FFFFFFF  }
0x9e: {  	s19 =	sld [smem:$0x3FDB];
	_ =	sdelay $0x1  }
0x9f: {  	s6 =	simm.s32 $_scs_section_size  }
0xa0: {  	s7 =	simm.s32 $_size__tile_overlayer_lowered;
	s8 =	simm.s32 $_tile_overlayer_lowered  }
0xa1: {  	s22 =	simm.s32 $0x1BFF;
	s21 =	sshll.u32 s8, $0x1;
	s5 =	sadd.s32 s6, s19  }
0xa2: {  	s9 =	simm.s32 $0x0;
	s20 =	sshll.u32 s7, $0x1;
	s7 =	sadd.s32 s21, s5  }
0xa3: {  	[timem:s9], [sflag:s22] =	dma.local [hbm:s7], s20  }
0xa4: {  	_ =	swait.ge [sflag:s22], s20  }
0xa5: {  	s6 =	ssub.s32 $0x0, s20;
	[sflag:s22] =	ssyncset.done $0x0  }
0xa6: {  	[sflag:s22] =	ssyncadd.s32 s6;
	_ =	sdelay $0x1  }
0xa7: {  	s23 =	simm.s32 $0x1B8B  }
0xa8: {  	_ =	swait.ge [sflag:s23], $0x1  }
0xa9: {  	[sflag:s23] =	ssyncset.done $0x0  }
0xaa: {  	s25 =	simm.s32 $0x1B8E;
	s24 =	sld [smem:$0x3FFE];
	[sflag:s23] =	ssyncadd.s32 $0xFFFFFFFF  }
0xab: {  	s26 =	simm.s32 $execute0_lowered;
	[smem:$0x3FD2] =	sst s25  }
0xac: {  	s7 =	sshll.u32 s26, $0x1;
	_ =	strace $0x80000046;
	[dreg:$0x1] =	wrdreg $0xFFFFFFFF  }
0xad: {  	s28 =	simm.s32 $_size_execute0_lowered;
	s5 =	sadd.s32 s5, s7;
	[dreg:$0x0] =	wrdreg $0x0  }
0xae: {  	s7 =	sshll.u32 s28, $0x1;
	[dreg:$0x2] =	wrdreg s5  }
0xaf: {  	[dreg:$0x3] =	wrdreg s7  }
0xb0: {  	[dreg:$0x4] =	wrdreg $0xC0  }
0xb1: {  	_ =	task [dreg:s9], $0x5FFFF  }
0xb2: {  	[dreg:$0x1] =	wrdreg $0xFFFFFFFF  }
0xb3: {  	[dreg:$0x0] =	wrdreg $0x60  }
0xb4: {  	[dreg:$0x2] =	wrdreg s24  }
0xb5: {  	[dreg:$0x3] =	wrdreg s15  }
0xb6: {  	[dreg:$0x4] =	wrdreg s16  }
0xb7: {  	[dreg:$0x5] =	wrdreg s17  }
0xb8: {  	[dreg:$0x6] =	wrdreg $0x9  }
0xb9: {  	_ =	task.clear_ibuf [dreg:s9], $0x7FFFF;
	_ =	strace $0x90000046  }
0xba: {  	s29 =	simm.s32 $0x9;
	_ =	strace $0x80000048  }
0xbb: {  	_ =	swait.ge [sflag:s29], $0x1  }
0xbc: {  	[sflag:s29] =	ssyncadd.s32 $0xFFFFFFFF  }
0xbd: {  	_ =	strace $0x90000048  }
0xbe: {  	_ =	sfence  }
0xbf: {  	s30 =	sld [smem:$0x0];
	_ =	sdelay $0x2  }
0xc0: {  	s31 =	sshll.u32 s1, $0xD;
	s1 =	sshrl.u32 s1, $0x2  }
0xc1: {  	s3 =	sand.u32 $0x4000, s31;
	s1 =	sadd.s32 s1, s30  }
0xc2: {  	s0 =	sor.u32 s3, s0;
	s1 =	sshll.u32 s1, $0x11  }
0xc3: {  	s0 =	sor.u32 s1, s0  }
0xc4: {  	s0 =	sadd.s32 $0x8F2B, s0  }
0xc5: {  	[sflag:s0] =	ssyncadd.remote.s32 $0x1  }
0xc6: {  	_ =	sfence.sel $0xFFFF  }
0xc7: {  	[dreg:$0x0] =	wrdreg $0xFFFFFFFF;
	(pc) =	sbr.abs _section_cstart, $3  }
0xc8: {  	[dreg:$0x1] =	wrdreg $0xFFFFFFFF  }
0xc9: {  	_ =	task.clear_ibuf [dreg:s9], $0x2FFFF;
	_ =	strace $0x9FFFFFFF  }
0xca: {  	(tm) =	ssettm $0x7FFFFFFF  }
0xcb: {  	_ =	shalt  }
tec
execute0_lowered:
.L_overlay_start_1:
0x0: {  	(tag) =	ssettag $0x1  }
0x1: {  	s0 =	rddreg [dreg:$0x0]  }
0x2: {  	s2 =	rddreg [dreg:$0x1]  }
0x3: {  	s3 =	rddreg [dreg:$0x2]  }
0x4: {  	s4 =	rddreg [dreg:$0x3];
	s1 =	simm.s32 $0x0  }
0x5: {  	s5 =	srdreg.scid;
	s10 =	stileid.u32;
	s19 =	simm.s32 $0x1  }
0x6: {  	s20 =	simm.s32 $0x2;
	s29 =	simm.s32 $0x0;
	[smem:$0x7FF] =	sst s1  }
0x7: {  	s8 =	sand.u32 $0x1, s5;
	s6 =	sshll.u32 s10, $0x1;
	s7 =	sadd.s32 $0xE00, s0  }
0x8: {  	s23 =	sadd.s32 $0xF00, s0;
	_ =	strace $0x80000047;
	[dreg:$0x5] =	wrdreg s7  }
0x9: {  	s25 =	sadd.s32 $0x1000, s0;
	s26 =	sadd.s32 $0x1100, s0;
	[dreg:$0x6] =	wrdreg s23  }
0xa: {  	s0 =	sadd.s32 $0x1200, s0;
	p0 =	sne.s32 s10, $0x0;
	[dreg:$0x7] =	wrdreg s25  }
0xb: {  	s5 =	ssub.s32 $0x2, s8;
	s6 =	sor.u32 s8, s6;
	[dreg:$0x8] =	wrdreg s26  }
0xc: {  	[dreg:$0x9] =	wrdreg s0;
	s30 =	sor.u32 $0x4E0, s8;
	s24 =	smul.u32 $0x4E0, s6  }
0xd: {  	s22 =	sshrl.u32 s5, $0x1;
	s9 =	smul.u32 $0x270, s6;
	s0 =	sshll.u32 s30, $0x4  }
.Ltmp0:
0xe: {  	s12 =	sshll.u32 s30, $0x5;
	s31 =	sadd.s32 s3, s0;
	(pc) =	sbr.rel .LBB2_1-.Ltmp0, $4  }
0xf: {  	s11 =	ssub.s32 s5, s22;
	s0 =	sadd.s32 s4, s0;
	[dreg:$0xc] =	wrdreg s31  }
0x10: {  	s28 =	sadd.s32 s2, s24;
	s8 =	sadd.s32 s3, s9;
	[dreg:$0xd] =	wrdreg s0  }
0x11: {  	s9 =	sadd.s32 s4, s9;
	s2 =	sadd.s32 s2, s12;
	[dreg:$0xa] =	wrdreg s28  }
0x12: {  	s13 =	smax.u32 s11, $0x1;
	s24 =	simm.s32 $0x3;
	[dreg:$0xb] =	wrdreg s2  }
.LBB2_5:
0x13: {  	s29 =	sadd.s32 $0x1, s29  }
0x14: {  	_ =	swait.ge [sflag:s19], $0x1380;
	p1 =	sne.s32 s29, s13  }
.Ltmp1:
0x15: {  	[sflag:s19] =	ssyncset.done $0x0;
	(pc) =	sbr.rel @!p1 .LBB2_6-.Ltmp1, $4  }
0x16: {  	[sflag:s19] =	ssyncadd.s32 $0xFFFFEC80  }
0x17: {  	_ =	swait.ge [sflag:s20], $0x1380  }
0x18: {  	[sflag:s20] =	ssyncset.done $0x0  }
0x19: {  	[sflag:s20] =	ssyncadd.s32 $0xFFFFEC80  }
.LBB2_1:
0x1a: {  	s0 =	rddreg [dreg:$0x5]  }
0x1b: {  	[tilespmem:s1], [sflag:$0x1] =	stream.linear.gather [hbm4b:s0+s1], $0x800, $0x38;
	[tilespmem:$0x7800] =	vst v63  }
0x1c: {  	s16 =	rddreg [dreg:$0x6];
	s2 =	simm.s32 $0x800  }
0x1d: {  	[tilespmem:s2], [sflag:$0x1] =	stream.linear.gather [hbm4b:s16+s1], $0x800, $0x38;
	[tilespmem:$0x7800] =	vst v63  }
0x1e: {  	s17 =	rddreg [dreg:$0x7];
	s18 =	simm.s32 $0x1000  }
0x1f: {  	[tilespmem:s18], [sflag:$0x1] =	stream.linear.gather [hbm4b:s17+s1], $0x800, $0x38;
	[tilespmem:$0x7800] =	vst v63  }
0x20: {  	s21 =	rddreg [dreg:$0x8];
	s22 =	simm.s32 $0x1800  }
0x21: {  	[tilespmem:s22], [sflag:$0x1] =	stream.linear.gather [hbm4b:s21+s1], $0x800, $0x38;
	[tilespmem:$0x7800] =	vst v63  }
0x22: {  	s23 =	rddreg [dreg:$0x9];
	s25 =	simm.s32 $0x2000  }
0x23: {  	[tilespmem:s25], [sflag:$0x1] =	stream.linear.gather [hbm4b:s23+s1], $0x800, $0x38;
	[tilespmem:$0x7800] =	vst v63  }
0x24: {  	s26 =	rddreg [dreg:$0xa];
	s28 =	simm.s32 $0x2800  }
0x25: {  	[tilespmem:s28], [sflag:$0x2] =	stream.linear.gather [hbm4b:s26+s1], $0x2700, $0x38;
	[tilespmem:$0x7800] =	vst v63  }
0x26: {  	_ =	swait.ge [sflag:s19], $0x800  }
0x27: {  	[sflag:s19] =	ssyncset.done $0x0  }
0x28: {  	[sflag:s19] =	ssyncadd.s32 $0xFFFFF800  }
0x29: {  	_ =	swait.ge [sflag:s19], $0x800  }
0x2a: {  	[sflag:s19] =	ssyncset.done $0x0  }
0x2b: {  	[sflag:s19] =	ssyncadd.s32 $0xFFFFF800  }
0x2c: {  	_ =	swait.ge [sflag:s19], $0x800  }
0x2d: {  	[sflag:s19] =	ssyncset.done $0x0  }
0x2e: {  	[sflag:s19] =	ssyncadd.s32 $0xFFFFF800  }
0x2f: {  	_ =	swait.ge [sflag:s19], $0x800  }
0x30: {  	[sflag:s19] =	ssyncset.done $0x0  }
0x31: {  	[sflag:s19] =	ssyncadd.s32 $0xFFFFF800  }
0x32: {  	_ =	swait.ge [sflag:s19], $0x800  }
0x33: {  	[sflag:s19] =	ssyncset.done $0x0  }
0x34: {  	s3 =	simm.s32 $0x0;
	[sflag:s19] =	ssyncadd.s32 $0xFFFFF800  }
0x35: {  	s30 =	simm.s32 $0x0;
	s0 =	sand.u32 $0x3F00, s3;
	_ =	swait.ge [sflag:s20], $0x2700  }
0x36: {  	s14 =	sand.u32 $0x40, s30;
	s0 =	sadd.s32 $0x2800, s0;
	[sflag:s20] =	ssyncset.done $0x0  }
0x37: {  	s4 =	sor.u32 s14, s0;
	[sflag:s20] =	ssyncadd.s32 $0xFFFFD900  }
0x38: {  	s10 =	sor.u32 $0x10, s14;
	v0 =	vld [tilespmem:s4+$0x0]  }
0x39: {  	s5 =	sor.u32 s10, s0;
	v2 =	vld [tilespmem:s4+$0x80]  }
0x3a: {  	s11 =	sor.u32 $0x20, s14;
	v3 =	vld [tilespmem:s5+$0x0]  }
0x3b: {  	s3 =	simm.s32 $0x50;
	s12 =	sor.u32 $0x30, s14;
	s6 =	sor.u32 s11, s0;
	v4 =	vld [tilespmem:s5+$0x80]  }
0x3c: {  	s7 =	simm.s32 $0xA0;
	s15 =	sand.u32 $0x50, s3;
	s0 =	sor.u32 s12, s0;
	v5 =	vld [tilespmem:s6+$0x80]  }
0x3d: {  	s2 =	sand.u32 $0x7F00, s7;
	s16 =	simm.s32 $0x60;
	s17 =	simm.s32 $0xC0;
	v7 =	vld [tilespmem:s0+$0x80]  }
0x3e: {  	s3 =	sand.u32 $0x7F00, s17;
	v8 =	vld [tilespmem:s0+$0x0];
	s0 =	sor.u32 s15, s2;
	s2 =	sand.u32 $0x60, s16  }
0x3f: {  	v6 =	vld [tilespmem:s6+$0x0];
	s2 =	sor.u32 s2, s3  }
0x40: {  	s22 =	simm.s32 $0x70;
	s23 =	simm.s32 $0xE0;
	v10 =	vld [tilespmem:s2+$0x2880]  }
0x41: {  	s26 =	simm.s32 $0x90;
	s3 =	sand.u32 $0x7F00, s23;
	v11 =	vld [tilespmem:s2+$0x2800];
	s2 =	sand.u32 $0x70, s22  }
0x42: {  	s28 =	simm.s32 $0x120;
	s4 =	simm.s32 $0x40;
	v9 =	vld [tilespmem:s0+$0x2800];
	s2 =	sor.u32 s2, s3  }
0x43: {  	s18 =	sand.u32 $0x40, s4;
	s4 =	sand.u32 $0x7F00, s28;
	s3 =	sand.u32 $0x50, s26;
	v13 =	vld [tilespmem:s2+$0x2800]  }
0x44: {  	s25 =	simm.s32 $0x100;
	v14 =	vld [tilespmem:s2+$0x2880];
	s4 =	sor.u32 s3, s4  }
0x45: {  	s15 =	simm.s32 $0x80;
	s2 =	sand.u32 $0x7F00, s25;
	v17 =	vld [tilespmem:s4+$0x2800]  }
0x46: {  	s5 =	simm.s32 $0xA0;
	s6 =	simm.s32 $0x140;
	s2 =	sor.u32 s14, s2;
	v18 =	vld [tilespmem:s4+$0x2880]  }
0x47: {  	s21 =	sand.u32 $0x7F00, s15;
	s7 =	sand.u32 $0x60, s5;
	s15 =	sand.u32 $0x7F00, s6;
	v15 =	vld [tilespmem:s2+$0x2800]  }
0x48: {  	v16 =	vld [tilespmem:s2+$0x2880];
	s2 =	sor.u32 s7, s15  }
0x49: {  	v19 =	vld [tilespmem:s2+$0x2800]  }
0x4a: {  	v20 =	vld [tilespmem:s2+$0x2880]  }
0x4b: {  	v1 =	vld.idx.msk [tilespmem:v0+s1+$0x0], $0xffff  }
0x4c: {  	v0 =	vld [tilespmem:s0+$0x2880]  }
0x4d: {  	v4 =	vld.idx.msk [tilespmem:v4+s1+$0x0], $0xffff  }
0x4e: {  	v3 =	vld.idx.msk [tilespmem:v3+s1+$0x0], $0xffff  }
0x4f: {  	v7 =	vld.idx.msk [tilespmem:v7+s1+$0x0], $0xffff  }
0x50: {  	v13 =	vld.idx.msk [tilespmem:v13+s1+$0x0], $0xffff  }
0x51: {  	v14 =	vld.idx.msk [tilespmem:v14+s1+$0x0], $0xffff  }
0x52: {  	v5 =	vld.idx.msk [tilespmem:v5+s1+$0x0], $0xffff  }
0x53: {  	s0 =	sor.u32 s18, s21;
	v6 =	vld.idx.msk [tilespmem:v6+s1+$0x0], $0xffff;
	v3 =	vadd.f32 v4, v3  }
0x54: {  	v12 =	vld [tilespmem:s0+$0x2880]  }
0x55: {  	v9 =	vld.idx.msk [tilespmem:v9+s1+$0x0], $0xffff;
	v3 =	vsub.f32 $0.0e+00, v3  }
0x56: {  	v10 =	vld.idx.msk [tilespmem:v10+s1+$0x0], $0xffff;
	v13 =	vadd.f32 v14, v13  }
0x57: {  	v14 =	vld.idx.msk [tilespmem:v2+s1+$0x0], $0xffff;
	v2 =	vmul.f32 $1.442695020e+00, v3  }
0x58: {  	s17 =	simm.s32 $0xB0;
	s16 =	simm.s32 $0x160;
	v0 =	vld.idx.msk [tilespmem:v0+s1+$0x0], $0xffff;
	v3 =	vadd.f32 v5, v6;
	v5 =	vsub.f32 $0.0e+00, v13  }
0x59: {  	s3 =	sand.u32 $0x70, s17;
	s2 =	sand.u32 $0x7F00, s16;
	v4 =	vld.idx.msk [tilespmem:v17+s1+$0x0], $0xffff;
	(erf) = vpow2.f32 v2  }
0x5a: {  	s2 =	sor.u32 s3, s2;
	v6 =	vld.idx.msk [tilespmem:v18+s1+$0x0], $0xffff;
	v2 =	vsub.f32 $0.0e+00, v3;
	v3 =	vmul.f32 $1.442695020e+00, v5  }
0x5b: {  	v18 =	vld [tilespmem:s2+$0x2880]  }
0x5c: {  	v13 =	vld [tilespmem:s2+$0x2800];
	v2 =	vmul.f32 $1.442695020e+00, v2;
	(erf) = vpow2.f32 v3  }
0x5d: {  	v0 =	vadd.f32 v0, v9;
	v3 =	vld.idx.msk [tilespmem:v15+s1+$0x0], $0xffff  }
0x5e: {  	(erf) = vpow2.f32 v2;
	v2 =	vld.idx.msk [tilespmem:v16+s1+$0x0], $0xffff  }
0x5f: {  	s18 =	simm.s32 $0x180;
	v9 =	vld.idx.msk [tilespmem:v12+s1+$0x0], $0xffff;
	v0 =	vsub.f32 $0.0e+00, v0  }
0x60: {  	s26 =	simm.s32 $0xC0;
	v12 =	vld [tilespmem:s0+$0x2800];
	s0 =	sand.u32 $0x3F00, s18;
	v4 =	vadd.f32 v6, v4  }
0x61: {  	s31 =	sand.u32 $0x40, s26;
	v6 =	vld.idx.msk [tilespmem:v8+s1+$0x0], $0xffff;
	s21 =	sadd.s32 $0x2800, s0;
	v0 =	vmul.f32 $1.442695020e+00, v0  }
0x62: {  	v8 =	vld.idx.msk [tilespmem:v11+s1+$0x0], $0xffff;
	s0 =	sor.u32 s31, s21;
	v4 =	vsub.f32 $0.0e+00, v4;
	v11 =	vpop (erf)  }
0x63: {  	(erf) = vpow2.f32 v0;
	v11 =	vadd.f32 $1.000000000e+00, v11;
	v0 =	vadd.f32 v2, v3;
	v2 =	vld [tilespmem:s0+$0x0]  }
0x64: {  	s23 =	sor.u32 $0x20, s31;
	v17 =	vld.idx.msk [tilespmem:v20+s1+$0x0], $0xffff;
	v16 =	vmul.f32 $1.442695020e+00, v4  }
0x65: {  	s28 =	sor.u32 s23, s21;
	v15 =	vld.idx.msk [tilespmem:v18+s1+$0x0], $0xffff;
	v3 =	vpop (erf);
	(erf) = vrcp.f32 v11  }
0x66: {  	v18 =	vld [tilespmem:s28+$0x80];
	(erf) = vpow2.f32 v16  }
0x67: {  	v5 =	vld.idx.msk [tilespmem:v19+s1+$0x0], $0xffff;
	v6 =	vadd.f32 v7, v6;
	v3 =	vadd.f32 $1.000000000e+00, v3;
	v11 =	vpop (erf)  }
0x68: {  	v13 =	vld.idx.msk [tilespmem:v13+s1+$0x0], $0xffff;
	v0 =	vsub.f32 $0.0e+00, v0;
	v7 =	vadd.f32 $1.000000000e+00, v11  }
0x69: {  	v4 =	vld [tilespmem:s0+$0x80];
	v8 =	vadd.f32 v10, v8;
	(erf) = vrcp.f32 v3;
	v3 =	vsub.f32 $0.0e+00, v6  }
0x6a: {  	s0 =	sor.u32 $0x30, s31;
	v12 =	vld.idx.msk [tilespmem:v12+s1+$0x0], $0xffff;
	v0 =	vmul.f32 $1.442695020e+00, v0;
	(erf) = vrcp.f32 v7  }
0x6b: {  	s25 =	sor.u32 $0x10, s31;
	s2 =	sor.u32 s0, s21;
	v3 =	vmul.f32 $1.442695020e+00, v3;
	v6 =	vld.idx.msk [tilespmem:v2+s1+$0x0], $0xffff;
	v2 =	vsub.f32 $0.0e+00, v8  }
0x6c: {  	s22 =	sor.u32 s25, s21;
	v19 =	vld [tilespmem:s2+$0x80];
	(erf) = vpow2.f32 v0  }
0x6d: {  	v16 =	vld [tilespmem:s22+$0x0];
	v8 =	vpop (erf);
	(erf) = vpow2.f32 v3;
	v3 =	vadd.f32 v15, v13  }
0x6e: {  	v18 =	vld.idx.msk [tilespmem:v18+s1+$0x0], $0xffff;
	v8 =	vadd.f32 $1.000000000e+00, v8;
	v13 =	vpop (erf)  }
0x6f: {  	s5 =	simm.s32 $0x110;
	s4 =	simm.s32 $0x220;
	v11 =	vld [tilespmem:s22+$0x80];
	v53 =	vmul.f32 $1.442695020e+00, v2;
	v3 =	vsub.f32 $0.0e+00, v3;
	v2 =	vpop (erf)  }
0x70: {  	s6 =	sand.u32 $0x50, s5;
	s3 =	sand.u32 $0x7F00, s4;
	v7 =	vld [tilespmem:s28+$0x0];
	(erf) = vrcp.f32 v8;
	v22 =	vadd.f32 $1.000000000e+00, v2  }
0x71: {  	s7 =	simm.s32 $0x120;
	s15 =	simm.s32 $0x240;
	v0 =	vld [tilespmem:s2+$0x0];
	s2 =	sor.u32 s6, s3;
	(erf) = vpow2.f32 v53;
	v3 =	vmul.f32 $1.442695020e+00, v3  }
0x72: {  	s4 =	sand.u32 $0x7F00, s15;
	v1 =	vadd.f32 v14, v1;
	s3 =	sand.u32 $0x60, s7;
	v10 =	vld [tilespmem:s2+$0x2880];
	v14 =	vpop (erf);
	(erf) = vrcp.f32 v22  }
0x73: {  	s17 =	simm.s32 $0x100;
	s18 =	simm.s32 $0x200;
	s16 =	sor.u32 s3, s4;
	v15 =	vld [tilespmem:s2+$0x2800];
	v54 =	vpop (erf);
	(erf) = vpow2.f32 v3  }
0x74: {  	s3 =	sand.u32 $0x40, s17;
	s4 =	sand.u32 $0x7F00, s18;
	v21 =	vld [tilespmem:s16+$0x2880]  }
0x75: {  	v55 =	vsub.f32 $0.0e+00, v1;
	s15 =	sor.u32 s3, s4;
	v1 =	vld.idx.msk [tilespmem:v19+s1+$0x0], $0xffff;
	v3 =	vadd.f32 v17, v5;
	v5 =	vpop (erf)  }
0x76: {  	s21 =	simm.s32 $0x130;
	s22 =	simm.s32 $0x260;
	v8 =	vld [tilespmem:s15+$0x2880];
	v5 =	vadd.f32 $1.000000000e+00, v5  }
0x77: {  	s2 =	sand.u32 $0x70, s21;
	s3 =	sand.u32 $0x7F00, s22;
	v16 =	vld.idx.msk [tilespmem:v16+s1+$0x0], $0xffff  }
0x78: {  	v19 =	vmul.f32 $1.442695020e+00, v55;
	s2 =	sor.u32 s2, s3;
	v11 =	vld.idx.msk [tilespmem:v11+s1+$0x0], $0xffff;
	v3 =	vsub.f32 $0.0e+00, v3;
	v56 =	vpop (erf);
	(erf) = vrcp.f32 v5  }
0x79: {  	v17 =	vld [tilespmem:s2+$0x2800];
	v22 =	vadd.f32 $1.000000000e+00, v56;
	v57 =	vpop (erf)  }
0x7a: {  	v9 =	vadd.f32 v9, v12;
	s6 =	sand.u32 $0x1F80, s30;
	v2 =	vld [tilespmem:s16+$0x2800];
	v3 =	vmul.f32 $1.442695020e+00, v3;
	(erf) = vpow2.f32 v19;
	v12 =	vpop (erf)  }
0x7b: {  	s28 =	simm.s32 $0x280;
	s7 =	sor.u32 s6, s10;
	v5 =	vld [tilespmem:s2+$0x2880];
	(erf) = vrcp.f32 v22;
	v24 =	vpop (erf)  }
0x7c: {  	s5 =	simm.s32 $0x2A0;
	v9 =	vsub.f32 $0.0e+00, v9;
	s4 =	simm.s32 $0x150;
	s3 =	sand.u32 $0x7F00, s28;
	v58 =	vsub.f32 $1.000000000e+00, v13;
	[tilespmem:s7+$0x5000] =	vst v13;
	v7 =	vld.idx.msk [tilespmem:v7+s1+$0x0], $0xffff;
	(erf) = vpow2.f32 v3;
	v13 =	vpop (erf)  }
0x7d: {  	v10 =	vld.idx.msk [tilespmem:v10+s1+$0x0], $0xffff;
	s2 =	sor.u32 s31, s3;
	s3 =	sand.u32 $0x50, s4;
	s4 =	sand.u32 $0x7F00, s5;
	v12 =	vadd.f32 $1.000000000e+00, v12;
	v13 =	vadd.f32 $1.000000000e+00, v13  }
0x7e: {  	s10 =	simm.s32 $0x5060;
	v19 =	vld [tilespmem:s2+$0x2800];
	s3 =	sor.u32 s3, s4  }
0x7f: {  	v9 =	vmul.f32 $1.442695020e+00, v9;
	s17 =	simm.s32 $0x160;
	s18 =	simm.s32 $0x2C0;
	v11 =	vadd.f32 v11, v16;
	v25 =	vld [tilespmem:s3+$0x2800];
	(erf) = vrcp.f32 v12  }
0x80: {  	s16 =	sor.u32 s6, s11;
	s11 =	sand.u32 $0x60, s17;
	[tilespmem:s7+$0x6400] =	vst v58;
	v16 =	vsub.f32 $1.000000000e+00, v14;
	v12 =	vld [tilespmem:s3+$0x2880];
	s3 =	sand.u32 $0x7F00, s18;
	(erf) = vrcp.f32 v13  }
0x81: {  	s21 =	simm.s32 $0x80;
	[tilespmem:s10+$0x10] =	vst v14;
	v17 =	vld.idx.msk [tilespmem:v17+s1+$0x0], $0xffff;
	s3 =	sor.u32 s11, s3;
	s11 =	simm.s32 $0x6460;
	v13 =	vpop (erf);
	(erf) = vpow2.f32 v9  }
0x82: {  	s4 =	sand.u32 $0x3F80, s21;
	[tilespmem:s11+$0x10] =	vst v16;
	v16 =	vld [tilespmem:s3+$0x2800];
	v14 =	vsub.f32 $1.000000000e+00, v13  }
0x83: {  	v59 =	vsub.f32 $1.000000000e+00, v54;
	[tilespmem:s16+$0x5000] =	vst v54;
	s4 =	sor.u32 s14, s4;
	v5 =	vld.idx.msk [tilespmem:v5+s1+$0x0], $0xffff;
	v9 =	vsub.f32 $0.0e+00, v11;
	v11 =	vpop (erf)  }
0x84: {  	v11 =	vadd.f32 $1.000000000e+00, v11;
	v60 =	vpop (erf);
	[tilespmem:s4+$0x6400] =	vst v14;
	v14 =	vld.idx.msk [tilespmem:v15+s1+$0x0], $0xffff;
	v15 =	vsub.f32 $1.000000000e+00, v24  }
0x85: {  	[tilespmem:s4+$0x5000] =	vst v13;
	v13 =	vld [tilespmem:s3+$0x2880];
	v9 =	vmul.f32 $1.442695020e+00, v9;
	v61 =	vpop (erf)  }
0x86: {  	[tilespmem:s16+$0x6400] =	vst v59;
	v23 =	vld [tilespmem:s2+$0x2880];
	(erf) = vrcp.f32 v11;
	v11 =	vadd.f32 $1.000000000e+00, v61  }
0x87: {  	v3 =	vld.idx.msk [tilespmem:v21+s1+$0x0], $0xffff;
	[tilespmem:s10+$0x30] =	vst v24;
	(erf) = vpow2.f32 v9  }
0x88: {  	s22 =	simm.s32 $0x2E0;
	s28 =	simm.s32 $0x170;
	v25 =	vld.idx.msk [tilespmem:v25+s1+$0x0], $0xffff;
	v5 =	vadd.f32 v5, v17;
	v9 =	vsub.f32 $1.000000000e+00, v57;
	[tilespmem:s11+$0x30] =	vst v15;
	(erf) = vrcp.f32 v11;
	v15 =	vpop (erf)  }
0x89: {  	v7 =	vadd.f32 v18, v7;
	[tilespmem:s10+$0xFFFFFFF0] =	vst v57;
	s3 =	sand.u32 $0x7F00, s22;
	v17 =	vld.idx.msk [tilespmem:v12+s1+$0x0], $0xffff;
	s4 =	sand.u32 $0x70, s28;
	v12 =	vpop (erf)  }
0x8a: {  	s3 =	sor.u32 s4, s3;
	v63 =	vsub.f32 $0.0e+00, v5;
	[tilespmem:s11+$0xFFFFFFF0] =	vst v9;
	v9 =	vld.idx.msk [tilespmem:v4+s1+$0x0], $0xffff;
	v4 =	vsub.f32 $1.000000000e+00, v60;
	v18 =	vpop (erf)  }
0x8b: {  	s2 =	sor.u32 s6, s12;
	v11 =	vld [tilespmem:s3+$0x2800];
	v62 =	vsub.f32 $1.000000000e+00, v15;
	[tilespmem:s10+$0x0] =	vst v15;
	v15 =	vadd.f32 $1.000000000e+00, v18  }
0x8c: {  	v7 =	vsub.f32 $0.0e+00, v7;
	v10 =	vadd.f32 v10, v14;
	[tilespmem:s2+$0x6400] =	vst v4;
	v4 =	vld.idx.msk [tilespmem:v16+s1+$0x0], $0xffff  }
0x8d: {  	[tilespmem:s2+$0x5000] =	vst v60;
	v14 =	vmul.f32 $1.442695020e+00, v63;
	v5 =	vld.idx.msk [tilespmem:v13+s1+$0x0], $0xffff;
	v13 =	vsub.f32 $1.000000000e+00, v12;
	(erf) = vrcp.f32 v15  }
0x8e: {  	[tilespmem:s10+$0x50] =	vst v12;
	v12 =	vld [tilespmem:s3+$0x2880];
	v10 =	vsub.f32 $0.0e+00, v10;
	v18 =	vmul.f32 $1.442695020e+00, v7  }
0x8f: {  	v17 =	vadd.f32 v17, v25;
	[tilespmem:s11+$0x0] =	vst v62;
	v6 =	vadd.f32 v9, v6;
	v9 =	vld.idx.msk [tilespmem:v19+s1+$0x0], $0xffff;
	v15 =	vpop (erf);
	(erf) = vpow2.f32 v14  }
0x90: {  	[tilespmem:s11+$0x50] =	vst v13;
	v16 =	vmul.f32 $1.442695020e+00, v10;
	v10 =	vld [tilespmem:s15+$0x2800];
	v19 =	vpop (erf);
	(erf) = vpow2.f32 v18  }
0x91: {  	s16 =	simm.s32 $0x460;
	v17 =	vsub.f32 $0.0e+00, v17;
	v14 =	vld.idx.msk [tilespmem:v23+s1+$0x0], $0xffff;
	v7 =	vsub.f32 $0.0e+00, v6;
	[tilespmem:s10+$0xFFFFFFA0] =	vst v15;
	v13 =	vpop (erf)  }
0x92: {  	s12 =	simm.s32 $0x5120;
	s14 =	simm.s32 $0x6520;
	s15 =	simm.s32 $0xC0;
	v6 =	vld.idx.msk [tilespmem:v8+s1+$0x0], $0xffff;
	v8 =	vsub.f32 $1.000000000e+00, v15;
	v15 =	vadd.f32 $1.000000000e+00, v19;
	[tilespmem:s10+$0x40] =	vst v13  }
.LBB2_2:
0x93: {  	s2 =	sadd.s32 $0xFFFFFEA0, s16  }
0x94: {  	s3 =	sadd.s32 $0xFFFFFF40, s16;
	v0 =	vld.idx.msk [tilespmem:v0+s1+$0x0], $0xffff;
	[tilespmem:s11+$0xFFFFFFA0] =	vst v8;
	v18 =	vsub.f32 $1.000000000e+00, v13;
	s22 =	smov.u32 s26;
	s26 =	sadd.s32 $0xC0, s26  }
0x95: {  	s21 =	sand.u32 $0x40, s26;
	s2 =	sand.u32 $0x3F00, s2;
	s4 =	sand.u32 $0x7F00, s3;
	v2 =	vld.idx.msk [tilespmem:v2+s1+$0x0], $0xffff;
	v17 =	vmul.f32 $1.442695020e+00, v17;
	(erf) = vpow2.f32 v16  }
0x96: {  	s17 =	sadd.s32 $0x2800, s2;
	s3 =	sor.u32 $0x10, s21;
	s18 =	sor.u32 $0x30, s21;
	v16 =	vld.idx.msk [tilespmem:v11+s1+$0x0], $0xffff;
	(erf) = vrcp.f32 v15;
	[tilespmem:s11+$0x40] =	vst v18;
	v8 =	vpop (erf)  }
0x97: {  	p1 =	slt.u32 s26, $0x12C0;
	s2 =	sor.u32 $0x20, s21;
	v9 =	vadd.f32 v14, v9;
	s28 =	sor.u32 s21, s17;
	v12 =	vld.idx.msk [tilespmem:v12+s1+$0x0], $0xffff;
	(erf) = vpow2.f32 v17;
	[tilespmem:s10+$0xFFFFFFE0] =	vst v8;
	v11 =	vsub.f32 $1.000000000e+00, v8  }
0x98: {  	s10 =	smov.u32 s12;
	v14 =	vld [tilespmem:s28+$0x0];
	v13 =	vpop (erf)  }
0x99: {  	v9 =	vsub.f32 $0.0e+00, v9;
	v8 =	vld [tilespmem:s28+$0x80];
	s28 =	sor.u32 s3, s17;
	v13 =	vadd.f32 $1.000000000e+00, v13;
	v15 =	vpop (erf);
	[tilespmem:s11+$0xFFFFFFE0] =	vst v11;
	s11 =	smov.u32 s14  }
0x9a: {  	v0 =	vadd.f32 v1, v0;
	v17 =	vld [tilespmem:s28+$0x0];
	v11 =	vadd.f32 $1.000000000e+00, v15  }
0x9b: {  	s5 =	sor.u32 s2, s17;
	v1 =	vadd.f32 v3, v2;
	v2 =	vmul.f32 $1.442695020e+00, v9;
	v15 =	vld [tilespmem:s28+$0x80];
	(erf) = vrcp.f32 v13  }
0x9c: {  	s28 =	sand.u32 $0x1F80, s15;
	v0 =	vsub.f32 $0.0e+00, v0;
	s15 =	smov.u32 s26;
	v13 =	vld [tilespmem:s5+$0x80];
	(erf) = vrcp.f32 v11  }
0x9d: {  	s6 =	sadd.s32 $0xFFFFFF20, s16;
	v1 =	vsub.f32 $0.0e+00, v1;
	v3 =	vadd.f32 v12, v16;
	v11 =	vld [tilespmem:s5+$0x0];
	s5 =	sor.u32 s18, s17;
	s17 =	sadd.s32 $0x100, s22;
	(erf) = vpow2.f32 v2  }
0x9e: {  	s6 =	sand.u32 $0x7F00, s6;
	s7 =	sadd.s32 $0x110, s22;
	v20 =	vmul.f32 $1.442695020e+00, v0;
	v16 =	vld [tilespmem:s5+$0x80];
	s17 =	sand.u32 $0x40, s17;
	v9 =	vpop (erf)  }
0x9f: {  	v3 =	vsub.f32 $0.0e+00, v3;
	v0 =	vld [tilespmem:s5+$0x0];
	s17 =	sor.u32 s17, s6;
	s5 =	sand.u32 $0x50, s7;
	s6 =	sor.u32 s28, s25;
	v18 =	vadd.f32 $1.000000000e+00, v9;
	v12 =	vpop (erf)  }
0xa0: {  	v1 =	vmul.f32 $1.442695020e+00, v1;
	s7 =	sadd.s32 $0xFFFFFF60, s16;
	v9 =	vld.idx.msk [tilespmem:v14+s1+$0x0], $0xffff;
	s4 =	sor.u32 s5, s4;
	s5 =	sadd.s32 $0x120, s22;
	[tilespmem:s6+$0x5000] =	vst v12;
	v19 =	vsub.f32 $1.000000000e+00, v12;
	(erf) = vpow2.f32 v20;
	v2 =	vpop (erf)  }
0xa1: {  	s25 =	smov.u32 s3;
	s7 =	sand.u32 $0x7F00, s7;
	v3 =	vmul.f32 $1.442695020e+00, v3;
	v12 =	vld [tilespmem:s4+$0x2880];
	s5 =	sand.u32 $0x60, s5;
	v2 =	vadd.f32 $1.000000000e+00, v2;
	(erf) = vrcp.f32 v18  }
0xa2: {  	v14 =	vld [tilespmem:s4+$0x2800];
	s3 =	sor.u32 s5, s7;
	[tilespmem:s6+$0x6400] =	vst v19;
	(erf) = vpow2.f32 v1  }
0xa3: {  	v18 =	vld [tilespmem:s3+$0x2880];
	(erf) = vrcp.f32 v2  }
0xa4: {  	v2 =	vld [tilespmem:s3+$0x2800];
	v1 =	vpop (erf);
	(erf) = vpow2.f32 v3  }
0xa5: {  	s3 =	sor.u32 s28, s23;
	s23 =	smov.u32 s2;
	v3 =	vld.idx.msk [tilespmem:v10+s1+$0x0], $0xffff;
	[tilespmem:s12+$0x10] =	vst v1;
	v19 =	vsub.f32 $1.000000000e+00, v1;
	v1 =	vpop (erf)  }
0xa6: {  	v4 =	vadd.f32 v5, v4;
	s4 =	sadd.s32 $0xFFFFFF80, s16;
	s2 =	sadd.s32 $0x130, s22;
	v10 =	vld [tilespmem:s17+$0x2880];
	[tilespmem:s3+$0x5000] =	vst v1;
	v20 =	vsub.f32 $1.000000000e+00, v1;
	v5 =	vpop (erf)  }
0xa7: {  	s4 =	sand.u32 $0x7F00, s4;
	s2 =	sand.u32 $0x70, s2;
	v1 =	vld.idx.msk [tilespmem:v16+s1+$0x0], $0xffff;
	[tilespmem:s14+$0x10] =	vst v19;
	v5 =	vadd.f32 $1.000000000e+00, v5  }
0xa8: {  	v4 =	vsub.f32 $0.0e+00, v4;
	s2 =	sor.u32 s2, s4;
	v15 =	vld.idx.msk [tilespmem:v15+s1+$0x0], $0xffff;
	[tilespmem:s3+$0x6400] =	vst v20  }
0xa9: {  	v21 =	vmul.f32 $1.442695020e+00, v7;
	v16 =	vld [tilespmem:s2+$0x2800];
	v19 =	vpop (erf);
	(erf) = vrcp.f32 v5  }
0xaa: {  	v22 =	vmul.f32 $1.442695020e+00, v4;
	v5 =	vld [tilespmem:s2+$0x2880];
	s2 =	sadd.s32 $0xFFFFFFA0, s16;
	v19 =	vadd.f32 $1.000000000e+00, v19;
	v20 =	vpop (erf)  }
0xab: {  	v6 =	vadd.f32 v6, v3;
	v17 =	vld.idx.msk [tilespmem:v17+s1+$0x0], $0xffff;
	s2 =	sand.u32 $0x7F00, s2;
	[tilespmem:s12+$0xFFFFFFF0] =	vst v20;
	v20 =	vsub.f32 $1.000000000e+00, v20;
	(erf) = vpow2.f32 v21;
	v7 =	vpop (erf)  }
0xac: {  	s4 =	sadd.s32 $0xFFFFFFC0, s16;
	s3 =	sadd.s32 $0x150, s22;
	v3 =	vld.idx.msk [tilespmem:v18+s1+$0x0], $0xffff;
	s2 =	sor.u32 s21, s2;
	v7 =	vadd.f32 $1.000000000e+00, v7;
	(erf) = vrcp.f32 v19;
	v18 =	vpop (erf)  }
0xad: {  	s4 =	sand.u32 $0x7F00, s4;
	s3 =	sand.u32 $0x50, s3;
	v6 =	vsub.f32 $0.0e+00, v6;
	v19 =	vld [tilespmem:s2+$0x2800];
	[tilespmem:s12+$0x30] =	vst v18;
	v18 =	vsub.f32 $1.000000000e+00, v18;
	(erf) = vpow2.f32 v22;
	v4 =	vpop (erf)  }
0xae: {  	v21 =	vld [tilespmem:s2+$0x2880];
	s2 =	sor.u32 s3, s4;
	[tilespmem:s14+$0xFFFFFFF0] =	vst v20;
	v4 =	vadd.f32 $1.000000000e+00, v4;
	(erf) = vrcp.f32 v7  }
0xaf: {  	v20 =	vmul.f32 $1.442695020e+00, v6;
	v7 =	vld [tilespmem:s2+$0x2800];
	[tilespmem:s14+$0x30] =	vst v18  }
0xb0: {  	s3 =	sadd.s32 $0x140, s30;
	s30 =	smov.u32 s22;
	v13 =	vld.idx.msk [tilespmem:v13+s1+$0x0], $0xffff;
	(erf) = vrcp.f32 v4  }
0xb1: {  	s3 =	sand.u32 $0x3F80, s3;
	v4 =	vadd.f32 v15, v17;
	v15 =	vld.idx.msk [tilespmem:v16+s1+$0x0], $0xffff;
	(erf) = vpow2.f32 v20  }
0xb2: {  	s5 =	sadd.s32 $0xFFFFFFE0, s16;
	s4 =	sadd.s32 $0x160, s30;
	s3 =	sor.u32 s31, s3;
	v5 =	vld.idx.msk [tilespmem:v5+s1+$0x0], $0xffff;
	v6 =	vpop (erf)  }
0xb3: {  	s31 =	smov.u32 s21;
	v4 =	vsub.f32 $0.0e+00, v4;
	v16 =	vld [tilespmem:s2+$0x2880];
	s2 =	sand.u32 $0x60, s4;
	s4 =	sand.u32 $0x7F00, s5;
	[tilespmem:s3+$0x5000] =	vst v6;
	v20 =	vsub.f32 $1.000000000e+00, v6  }
0xb4: {  	v11 =	vld.idx.msk [tilespmem:v11+s1+$0x0], $0xffff;
	s2 =	sor.u32 s2, s4;
	v17 =	vpop (erf)  }
0xb5: {  	v4 =	vmul.f32 $1.442695020e+00, v4;
	s4 =	sor.u32 s28, s0;
	s0 =	smov.u32 s18;
	v18 =	vld [tilespmem:s2+$0x2800];
	v23 =	vadd.f32 $1.000000000e+00, v17;
	[tilespmem:s3+$0x6400] =	vst v20;
	v6 =	vpop (erf)  }
0xb6: {  	v20 =	vld [tilespmem:s2+$0x2880];
	[tilespmem:s4+$0x5000] =	vst v6;
	v6 =	vsub.f32 $1.000000000e+00, v6;
	v22 =	vpop (erf)  }
0xb7: {  	v7 =	vld.idx.msk [tilespmem:v7+s1+$0x0], $0xffff;
	v22 =	vadd.f32 $1.000000000e+00, v22;
	(erf) = vrcp.f32 v23;
	v17 =	vpop (erf)  }
0xb8: {  	v5 =	vadd.f32 v5, v15;
	v14 =	vld.idx.msk [tilespmem:v14+s1+$0x0], $0xffff;
	(erf) = vpow2.f32 v4;
	[tilespmem:s4+$0x6400] =	vst v6;
	v4 =	vsub.f32 $1.000000000e+00, v17  }
0xb9: {  	s2 =	sadd.s32 $0x170, s30;
	v6 =	vld.idx.msk [tilespmem:v12+s1+$0x0], $0xffff;
	[tilespmem:s12+$0x0] =	vst v17;
	(erf) = vrcp.f32 v22;
	v12 =	vpop (erf)  }
0xba: {  	s3 =	sand.u32 $0x7F00, s16;
	s2 =	sand.u32 $0x70, s2;
	v11 =	vadd.f32 v13, v11;
	v8 =	vld.idx.msk [tilespmem:v8+s1+$0x0], $0xffff;
	[tilespmem:s12+$0x50] =	vst v12;
	v12 =	vsub.f32 $1.000000000e+00, v12;
	v13 =	vpop (erf)  }
0xbb: {  	s2 =	sor.u32 s2, s3;
	v5 =	vsub.f32 $0.0e+00, v5;
	v15 =	vld.idx.msk [tilespmem:v16+s1+$0x0], $0xffff;
	v13 =	vadd.f32 $1.000000000e+00, v13;
	[tilespmem:s14+$0x0] =	vst v4  }
0xbc: {  	v16 =	vsub.f32 $0.0e+00, v11;
	v11 =	vld [tilespmem:s2+$0x2800];
	[tilespmem:s14+$0x50] =	vst v12  }
0xbd: {  	v17 =	vmul.f32 $1.442695020e+00, v5;
	v4 =	vld.idx.msk [tilespmem:v18+s1+$0x0], $0xffff;
	(erf) = vrcp.f32 v13  }
0xbe: {  	v16 =	vmul.f32 $1.442695020e+00, v16;
	v5 =	vld.idx.msk [tilespmem:v20+s1+$0x0], $0xffff  }
.Ltmp2:
0xbf: {  	v6 =	vadd.f32 v6, v14;
	v12 =	vld [tilespmem:s2+$0x2880];
	(erf) = vpow2.f32 v17;
	(pc) =	sbr.rel @p1 .LBB2_2-.Ltmp2, $4  }
0xc0: {  	v8 =	vadd.f32 v8, v9;
	v9 =	vld.idx.msk [tilespmem:v19+s1+$0x0], $0xffff;
	(erf) = vpow2.f32 v16;
	v13 =	vpop (erf)  }
0xc1: {  	v16 =	vsub.f32 $0.0e+00, v6;
	v17 =	vadd.f32 v15, v7;
	v14 =	vld.idx.msk [tilespmem:v21+s1+$0x0], $0xffff;
	v15 =	vpop (erf);
	[tilespmem:s12+$0xFFFFFFA0] =	vst v13  }
0xc2: {  	v7 =	vsub.f32 $0.0e+00, v8;
	v8 =	vsub.f32 $1.000000000e+00, v13;
	v6 =	vld.idx.msk [tilespmem:v10+s1+$0x0], $0xffff;
	v13 =	vpop (erf)  }
0xc3: {  	s16 =	sadd.s32 $0x180, s16;
	s14 =	sadd.s32 $0xC0, s14;
	s12 =	sadd.s32 $0xC0, s12;
	v15 =	vadd.f32 $1.000000000e+00, v15;
	v16 =	vmul.f32 $1.442695020e+00, v16;
	v17 =	vsub.f32 $0.0e+00, v17;
	v10 =	vld [tilespmem:s17+$0x2800];
	[tilespmem:s10+$0x40] =	vst v13  }
0xc4: {  	_ =	sdelay $0x3  }
0xc5: {  	v0 =	vld.idx.msk [tilespmem:v0+s1+$0x0], $0xffff;
	v17 =	vmul.f32 $1.442695020e+00, v17;
	(erf) = vpow2.f32 v16  }
0xc6: {  	v2 =	vld.idx.msk [tilespmem:v2+s1+$0x0], $0xffff;
	(erf) = vrcp.f32 v15  }
0xc7: {  	v11 =	vld.idx.msk [tilespmem:v11+s1+$0x0], $0xffff;
	(erf) = vpow2.f32 v17  }
0xc8: {  	v12 =	vld.idx.msk [tilespmem:v12+s1+$0x0], $0xffff;
	v9 =	vadd.f32 v14, v9  }
0xc9: {  	v21 =	vpop (erf)  }
0xca: {  	v22 =	vpop (erf);
	v24 =	vsub.f32 $0.0e+00, v9;
	v0 =	vadd.f32 v1, v0  }
0xcb: {  	v14 =	vadd.f32 $1.000000000e+00, v22;
	v23 =	vpop (erf);
	v2 =	vadd.f32 v3, v2  }
0xcc: {  	v25 =	vadd.f32 $1.000000000e+00, v23;
	v0 =	vsub.f32 $0.0e+00, v0  }
0xcd: {  	v26 =	vadd.f32 v12, v11;
	v1 =	vmul.f32 $1.442695020e+00, v24;
	(erf) = vrcp.f32 v14  }
0xce: {  	v2 =	vsub.f32 $0.0e+00, v2;
	(erf) = vrcp.f32 v25;
	v0 =	vmul.f32 $1.442695020e+00, v0;
	v27 =	vpop (erf)  }
0xcf: {  	(erf) = vpow2.f32 v1;
	v28 =	vadd.f32 $1.000000000e+00, v27;
	v29 =	vpop (erf)  }
0xd0: {  	v3 =	vsub.f32 $0.0e+00, v26;
	v2 =	vmul.f32 $1.442695020e+00, v2;
	(erf) = vpow2.f32 v0;
	v30 =	vpop (erf)  }
0xd1: {  	v0 =	vadd.f32 $1.000000000e+00, v30;
	(erf) = vrcp.f32 v28  }
0xd2: {  	v31 =	vmul.f32 $1.442695020e+00, v3;
	(erf) = vpow2.f32 v2  }
0xd3: {  	(erf) = vrcp.f32 v0  }
0xd4: {  	(erf) = vpow2.f32 v31;
	_ =	sdelay $0x1  }
0xd5: {  	v33 =	vld.idx.msk [tilespmem:v10+s1+$0x0], $0xffff;
	v32 =	vpop (erf)  }
0xd6: {  	v34 =	vpop (erf)  }
0xd7: {  	v35 =	vadd.f32 v5, v4;
	v36 =	vpop (erf)  }
0xd8: {  	v4 =	vadd.f32 $1.000000000e+00, v36;
	v37 =	vpop (erf)  }
0xd9: {  	v7 =	vmul.f32 $1.442695020e+00, v7;
	v3 =	vsub.f32 $0.0e+00, v35;
	v38 =	vpop (erf)  }
0xda: {  	v1 =	vadd.f32 v6, v33;
	(erf) = vrcp.f32 v4;
	v39 =	vadd.f32 $1.000000000e+00, v37;
	v40 =	vpop (erf)  }
0xdb: {  	v41 =	vsub.f32 $1.000000000e+00, v13;
	v3 =	vmul.f32 $1.442695020e+00, v3;
	(erf) = vpow2.f32 v7;
	v42 =	vpop (erf)  }
0xdc: {  	v1 =	vsub.f32 $0.0e+00, v1;
	(erf) = vrcp.f32 v39;
	v5 =	vadd.f32 $1.000000000e+00, v40;
	v43 =	vpop (erf)  }
0xdd: {  	[tilespmem:s11+$0xFFFFFFA0] =	vst v8;
	(erf) = vpow2.f32 v3;
	v44 =	vadd.f32 $1.000000000e+00, v43  }
0xde: {  	[tilespmem:s11+$0x40] =	vst v41;
	v45 =	vsub.f32 $1.000000000e+00, v21;
	v1 =	vmul.f32 $1.442695020e+00, v1;
	(erf) = vrcp.f32 v5  }
0xdf: {  	s2 =	sand.u32 $0x1F80, s15;
	[tilespmem:s10+$0xFFFFFFE0] =	vst v21;
	(erf) = vrcp.f32 v44  }
0xe0: {  	s3 =	sor.u32 s2, s25;
	[tilespmem:s11+$0xFFFFFFE0] =	vst v45;
	v46 =	vsub.f32 $1.000000000e+00, v29;
	(erf) = vpow2.f32 v1  }
0xe1: {  	[tilespmem:s3+$0x5000] =	vst v29  }
0xe2: {  	[tilespmem:s3+$0x6400] =	vst v46  }
0xe3: {  	s26 =	sor.u32 s2, s23;
	[tilespmem:s12+$0x10] =	vst v32;
	v0 =	vsub.f32 $1.000000000e+00, v32;
	v47 =	vpop (erf)  }
0xe4: {  	[tilespmem:s26+$0x5000] =	vst v34;
	v2 =	vsub.f32 $1.000000000e+00, v34;
	v48 =	vpop (erf)  }
0xe5: {  	[tilespmem:s14+$0x10] =	vst v0;
	v49 =	vpop (erf)  }
0xe6: {  	[tilespmem:s26+$0x6400] =	vst v2;
	v50 =	vpop (erf)  }
0xe7: {  	[tilespmem:s12+$0xFFFFFFF0] =	vst v38;
	v51 =	vsub.f32 $1.000000000e+00, v38;
	v3 =	vadd.f32 $1.000000000e+00, v48;
	v5 =	vpop (erf)  }
0xe8: {  	s28 =	sadd.s32 $0x140, s30;
	[tilespmem:s12+$0x30] =	vst v42;
	v52 =	vsub.f32 $1.000000000e+00, v42;
	v2 =	vadd.f32 $1.000000000e+00, v50;
	v53 =	vpop (erf)  }
0xe9: {  	s3 =	sand.u32 $0x3F80, s28;
	[tilespmem:s14+$0xFFFFFFF0] =	vst v51;
	(erf) = vrcp.f32 v3;
	v54 =	vpop (erf)  }
0xea: {  	s3 =	sor.u32 s31, s3;
	[tilespmem:s14+$0x30] =	vst v52;
	v55 =	vsub.f32 $1.000000000e+00, v47;
	(erf) = vrcp.f32 v2;
	v56 =	vadd.f32 $1.000000000e+00, v54  }
0xeb: {  	[tilespmem:s3+$0x5000] =	vst v47  }
0xec: {  	s0 =	sor.u32 s2, s0;
	[tilespmem:s3+$0x6400] =	vst v55;
	v57 =	vsub.f32 $1.000000000e+00, v49;
	(erf) = vrcp.f32 v56  }
0xed: {  	[tilespmem:s0+$0x5000] =	vst v49  }
0xee: {  	[tilespmem:s0+$0x6400] =	vst v57  }
0xef: {  	v58 =	vsub.f32 $1.000000000e+00, v5;
	[tilespmem:s12+$0x0] =	vst v5  }
0xf0: {  	[tilespmem:s12+$0x50] =	vst v53;
	v59 =	vsub.f32 $1.000000000e+00, v53  }
0xf1: {  	[tilespmem:s14+$0x0] =	vst v58  }
0xf2: {  	[tilespmem:s14+$0x50] =	vst v59;
	v60 =	vpop (erf)  }
0xf3: {  	[tilespmem:s12+$0xFFFFFFA0] =	vst v60;
	v0 =	vsub.f32 $1.000000000e+00, v60;
	v61 =	vpop (erf)  }
0xf4: {  	[tilespmem:s12+$0x40] =	vst v61;
	v1 =	vsub.f32 $1.000000000e+00, v61  }
0xf5: {  	[tilespmem:s14+$0xFFFFFFA0] =	vst v0;
	v62 =	vpop (erf)  }
0xf6: {  	[tilespmem:s14+$0x40] =	vst v1;
	v63 =	vsub.f32 $1.000000000e+00, v62  }
.Ltmp3:
0xf7: {  	[tilespmem:s12+$0xFFFFFFE0] =	vst v62;
	(pc) =	sbr.rel @p0 .LBB2_5-.Ltmp3, $4  }
0xf8: {  	s30 =	simm.s32 $0x5000;
	[tilespmem:s14+$0xFFFFFFE0] =	vst v63  }
0xf9: {  	[hbm4b:s8+s1] =	stream.linear.scatter [tilespmem:s30], [sflag:$0x1], $0x1380, $0x38;
	[tilespmem:$0x7800] =	vst v63  }
0xfa: {  	s31 =	simm.s32 $0x6400  }
0xfb: {  	[hbm4b:s9+s1] =	stream.linear.scatter [tilespmem:s31], [sflag:$0x2], $0x1380, $0x38;
	[tilespmem:$0x7800] =	vst v63  }
0xfc: {  	s0 =	rddreg [dreg:$0xb];
	s2 =	simm.s32 $0x4F00  }
0xfd: {  	[tilespmem:s2], [sflag:$0x3] =	stream.linear.gather [hbm4b:s0+s1], $0x100, $0x38;
	[tilespmem:$0x7800] =	vst v63  }
0xfe: {  	_ =	swait.ge [sflag:s24], $0x100  }
0xff: {  	[sflag:s24] =	ssyncset.done $0x0  }
0x100: {  	[sflag:s24] =	ssyncadd.s32 $0xFFFFFF00  }
0x101: {  	v0 =	vld [tilespmem:$0x4F00]  }
0x102: {  	v1 =	vld [tilespmem:$0x4F80];
	_ =	sdelay $0x6  }
0x103: {  	v0 =	vld.idx.msk [tilespmem:v0+s1+$0x0], $0xffff  }
0x104: {  	v1 =	vld.idx.msk [tilespmem:v1+s1+$0x0], $0xffff;
	_ =	sdelay $0x4  }
0x105: {  	v0 =	vadd.f32 v1, v0;
	_ =	sdelay $0x1  }
0x106: {  	v0 =	vsub.f32 $0.0e+00, v0;
	_ =	sdelay $0x1  }
0x107: {  	v0 =	vmul.f32 $1.442695020e+00, v0;
	_ =	sdelay $0x1  }
0x108: {  	(erf) = vpow2.f32 v0;
	_ =	sdelay $0x8  }
0x109: {  	v0 =	vpop (erf)  }
0x10a: {  	v0 =	vadd.f32 $1.000000000e+00, v0;
	_ =	sdelay $0x1  }
0x10b: {  	(erf) = vrcp.f32 v0;
	_ =	sdelay $0x4  }
0x10c: {  	v37 =	vld [tilespmem:$0x4F10]  }
0x10d: {  	v38 =	vld [tilespmem:$0x4F90];
	_ =	sdelay $0x2  }
0x10e: {  	v2 =	vpop (erf)  }
0x10f: {  	v3 =	vsub.f32 $1.000000000e+00, v2  }
0x110: {  	[tilespmem:$0x6380] =	vst v2  }
0x111: {  	[tilespmem:$0x7780] =	vst v3  }
0x112: {  	v0 =	vld.idx.msk [tilespmem:v37+s1+$0x0], $0xffff  }
0x113: {  	v1 =	vld.idx.msk [tilespmem:v38+s1+$0x0], $0xffff;
	_ =	sdelay $0x4  }
0x114: {  	v0 =	vadd.f32 v1, v0;
	_ =	sdelay $0x1  }
0x115: {  	v0 =	vsub.f32 $0.0e+00, v0;
	_ =	sdelay $0x1  }
0x116: {  	v0 =	vmul.f32 $1.442695020e+00, v0;
	_ =	sdelay $0x1  }
0x117: {  	(erf) = vpow2.f32 v0;
	_ =	sdelay $0x8  }
0x118: {  	v0 =	vpop (erf)  }
0x119: {  	v0 =	vadd.f32 $1.000000000e+00, v0;
	_ =	sdelay $0x1  }
0x11a: {  	(erf) = vrcp.f32 v0;
	_ =	sdelay $0x4  }
0x11b: {  	v39 =	vld [tilespmem:$0x4F20]  }
0x11c: {  	v40 =	vld [tilespmem:$0x4FA0];
	_ =	sdelay $0x2  }
0x11d: {  	v41 =	vpop (erf)  }
0x11e: {  	v42 =	vsub.f32 $1.000000000e+00, v41  }
0x11f: {  	[tilespmem:$0x6390] =	vst v41  }
0x120: {  	[tilespmem:$0x7790] =	vst v42  }
0x121: {  	v0 =	vld.idx.msk [tilespmem:v39+s1+$0x0], $0xffff  }
0x122: {  	v1 =	vld.idx.msk [tilespmem:v40+s1+$0x0], $0xffff;
	_ =	sdelay $0x4  }
0x123: {  	v0 =	vadd.f32 v1, v0;
	_ =	sdelay $0x1  }
0x124: {  	v0 =	vsub.f32 $0.0e+00, v0;
	_ =	sdelay $0x1  }
0x125: {  	v0 =	vmul.f32 $1.442695020e+00, v0;
	_ =	sdelay $0x1  }
0x126: {  	(erf) = vpow2.f32 v0;
	_ =	sdelay $0x8  }
0x127: {  	v0 =	vpop (erf)  }
0x128: {  	v0 =	vadd.f32 $1.000000000e+00, v0;
	_ =	sdelay $0x1  }
0x129: {  	(erf) = vrcp.f32 v0;
	_ =	sdelay $0x4  }
0x12a: {  	v43 =	vld [tilespmem:$0x4F30]  }
0x12b: {  	v44 =	vld [tilespmem:$0x4FB0];
	_ =	sdelay $0x2  }
0x12c: {  	v45 =	vpop (erf)  }
0x12d: {  	v46 =	vsub.f32 $1.000000000e+00, v45  }
0x12e: {  	[tilespmem:$0x63A0] =	vst v45  }
0x12f: {  	[tilespmem:$0x77A0] =	vst v46  }
0x130: {  	v0 =	vld.idx.msk [tilespmem:v43+s1+$0x0], $0xffff  }
0x131: {  	v1 =	vld.idx.msk [tilespmem:v44+s1+$0x0], $0xffff;
	_ =	sdelay $0x4  }
0x132: {  	v0 =	vadd.f32 v1, v0;
	_ =	sdelay $0x1  }
0x133: {  	v0 =	vsub.f32 $0.0e+00, v0;
	_ =	sdelay $0x1  }
0x134: {  	v0 =	vmul.f32 $1.442695020e+00, v0;
	_ =	sdelay $0x1  }
0x135: {  	(erf) = vpow2.f32 v0;
	_ =	sdelay $0x8  }
0x136: {  	v0 =	vpop (erf)  }
0x137: {  	v0 =	vadd.f32 $1.000000000e+00, v0;
	_ =	sdelay $0x1  }
0x138: {  	(erf) = vrcp.f32 v0;
	_ =	sdelay $0x4  }
0x139: {  	v47 =	vld [tilespmem:$0x4F40]  }
0x13a: {  	v48 =	vld [tilespmem:$0x4FC0];
	_ =	sdelay $0x2  }
0x13b: {  	v49 =	vpop (erf)  }
0x13c: {  	v50 =	vsub.f32 $1.000000000e+00, v49  }
0x13d: {  	[tilespmem:$0x63B0] =	vst v49  }
0x13e: {  	[tilespmem:$0x77B0] =	vst v50  }
0x13f: {  	v0 =	vld.idx.msk [tilespmem:v47+s1+$0x0], $0xffff  }
0x140: {  	v1 =	vld.idx.msk [tilespmem:v48+s1+$0x0], $0xffff;
	_ =	sdelay $0x4  }
0x141: {  	v0 =	vadd.f32 v1, v0;
	_ =	sdelay $0x1  }
0x142: {  	v0 =	vsub.f32 $0.0e+00, v0;
	_ =	sdelay $0x1  }
0x143: {  	v0 =	vmul.f32 $1.442695020e+00, v0;
	_ =	sdelay $0x1  }
0x144: {  	(erf) = vpow2.f32 v0;
	_ =	sdelay $0x8  }
0x145: {  	v0 =	vpop (erf)  }
0x146: {  	v0 =	vadd.f32 $1.000000000e+00, v0;
	_ =	sdelay $0x1  }
0x147: {  	(erf) = vrcp.f32 v0;
	_ =	sdelay $0x4  }
0x148: {  	v51 =	vld [tilespmem:$0x4F50]  }
0x149: {  	v52 =	vld [tilespmem:$0x4FD0];
	_ =	sdelay $0x2  }
0x14a: {  	v53 =	vpop (erf)  }
0x14b: {  	v54 =	vsub.f32 $1.000000000e+00, v53  }
0x14c: {  	[tilespmem:$0x63C0] =	vst v53  }
0x14d: {  	[tilespmem:$0x77C0] =	vst v54  }
0x14e: {  	v0 =	vld.idx.msk [tilespmem:v51+s1+$0x0], $0xffff  }
0x14f: {  	v1 =	vld.idx.msk [tilespmem:v52+s1+$0x0], $0xffff;
	_ =	sdelay $0x4  }
0x150: {  	v0 =	vadd.f32 v1, v0;
	_ =	sdelay $0x1  }
0x151: {  	v0 =	vsub.f32 $0.0e+00, v0;
	_ =	sdelay $0x1  }
0x152: {  	v0 =	vmul.f32 $1.442695020e+00, v0;
	_ =	sdelay $0x1  }
0x153: {  	(erf) = vpow2.f32 v0;
	_ =	sdelay $0x8  }
0x154: {  	v0 =	vpop (erf)  }
0x155: {  	v0 =	vadd.f32 $1.000000000e+00, v0;
	_ =	sdelay $0x1  }
0x156: {  	(erf) = vrcp.f32 v0;
	_ =	sdelay $0x4  }
0x157: {  	v55 =	vld [tilespmem:$0x4F60]  }
0x158: {  	v56 =	vld [tilespmem:$0x4FE0];
	_ =	sdelay $0x2  }
0x159: {  	v57 =	vpop (erf)  }
0x15a: {  	v58 =	vsub.f32 $1.000000000e+00, v57  }
0x15b: {  	[tilespmem:$0x63D0] =	vst v57  }
0x15c: {  	[tilespmem:$0x77D0] =	vst v58  }
0x15d: {  	v0 =	vld.idx.msk [tilespmem:v55+s1+$0x0], $0xffff  }
0x15e: {  	v1 =	vld.idx.msk [tilespmem:v56+s1+$0x0], $0xffff;
	_ =	sdelay $0x4  }
0x15f: {  	v0 =	vadd.f32 v1, v0;
	_ =	sdelay $0x1  }
0x160: {  	v0 =	vsub.f32 $0.0e+00, v0;
	_ =	sdelay $0x1  }
0x161: {  	v0 =	vmul.f32 $1.442695020e+00, v0;
	_ =	sdelay $0x1  }
0x162: {  	(erf) = vpow2.f32 v0;
	_ =	sdelay $0x8  }
0x163: {  	v0 =	vpop (erf)  }
0x164: {  	v0 =	vadd.f32 $1.000000000e+00, v0;
	_ =	sdelay $0x1  }
0x165: {  	(erf) = vrcp.f32 v0;
	_ =	sdelay $0x4  }
0x166: {  	v59 =	vld [tilespmem:$0x4F70]  }
0x167: {  	v60 =	vld [tilespmem:$0x4FF0];
	_ =	sdelay $0x2  }
0x168: {  	v61 =	vpop (erf)  }
0x169: {  	v62 =	vsub.f32 $1.000000000e+00, v61  }
0x16a: {  	[tilespmem:$0x63E0] =	vst v61  }
0x16b: {  	[tilespmem:$0x77E0] =	vst v62  }
0x16c: {  	v0 =	vld.idx.msk [tilespmem:v59+s1+$0x0], $0xffff  }
0x16d: {  	v1 =	vld.idx.msk [tilespmem:v60+s1+$0x0], $0xffff;
	_ =	sdelay $0x4  }
0x16e: {  	v0 =	vadd.f32 v1, v0;
	_ =	sdelay $0x1  }
0x16f: {  	v0 =	vsub.f32 $0.0e+00, v0;
	_ =	sdelay $0x1  }
0x170: {  	v0 =	vmul.f32 $1.442695020e+00, v0;
	_ =	sdelay $0x1  }
0x171: {  	(erf) = vpow2.f32 v0;
	_ =	sdelay $0x8  }
0x172: {  	v0 =	vpop (erf)  }
0x173: {  	v0 =	vadd.f32 $1.000000000e+00, v0;
	_ =	sdelay $0x1  }
0x174: {  	(erf) = vrcp.f32 v0;
	_ =	sdelay $0x8  }
0x175: {  	v0 =	vpop (erf)  }
0x176: {  	v63 =	vsub.f32 $1.000000000e+00, v0  }
0x177: {  	[tilespmem:$0x63F0] =	vst v0  }
0x178: {  	s26 =	simm.s32 $0x6380;
	s25 =	rddreg [dreg:$0xc];
	[tilespmem:$0x77F0] =	vst v63  }
0x179: {  	[hbm4b:s25+s1] =	stream.linear.scatter [tilespmem:s26], [sflag:$0x3], $0x80, $0x38;
	[tilespmem:$0x7800] =	vst v63  }
0x17a: {  	s30 =	simm.s32 $0x7780;
	s28 =	rddreg [dreg:$0xd]  }
0x17b: {  	[hbm4b:s28+s1] =	stream.linear.scatter [tilespmem:s30], [sflag:$0x4], $0x80, $0x38;
	[tilespmem:$0x7800] =	vst v63  }
0x17c: {  	_ =	swait.ge [sflag:s24], $0x80  }
.Ltmp4:
0x17d: {  	[sflag:s24] =	ssyncset.done $0x0;
	(pc) =	sbr.rel .LBB2_5-.Ltmp4, $4  }
0x17e: {  	s31 =	simm.s32 $0x4;
	[sflag:s24] =	ssyncadd.s32 $0xFFFFFF80  }
0x17f: {  	_ =	swait.ge [sflag:s31], $0x80  }
0x180: {  	[sflag:s31] =	ssyncset.done $0x0  }
0x181: {  	[sflag:s31] =	ssyncadd.s32 $0xFFFFFF80  }
.LBB2_6:
0x182: {  	_ =	sfence.sel $0x180000  }
0x183: {  	[bflag:$0x0] =	sbarrier.arrive $0xFFFF  }
0x184: {  	_ =	strace $0x90000047  }
0x185: {  	[bflag:$0x2] =	sbarrier.arrive $0xFFFF  }
0x186: {  	s0 =	rddreg [dreg:$0x4]  }
0x187: {  	s0 =	sadd.s32 @!p0 $0x100000, s0  }
0x188: {  	[sflag:s0] =	ssyncadd.tile.s32 @!p0 $0x1;
	_ =	shalt  }
.Lfunc_end2:
_tile_overlayer_lowered:
.L_overlay_start_2:
0x189: {  	(tag) =	ssettag $0x2  }
0x18a: {  	s0 =	rddreg [dreg:$0x0];
	s2 =	stileid.u32  }
0x18b: {  	s1 =	rddreg [dreg:$0x1];
	p0 =	sne.s32 s2, $0x0  }
0x18c: {  	s3 =	rddreg [dreg:$0x2];
	[bflag:$0x3] =	sbarrier.arrive $0xFFFF;
	s2 =	simm.s32 @!p0 $0x1C05  }
0x18d: {  	[timem:s3], [sflag:s2] =	dma.local @!p0 [hbm:s0], s1  }
0x18e: {  	s0 =	simm.s32 @!p0 $0x5  }
0x18f: {  	_ =	swait.ge @!p0 [sflag:s0], s1  }
0x190: {  	s1 =	ssub.s32 @!p0 $0x0, s1;
	[sflag:s0] =	ssyncset.done @!p0 $0x0  }
0x191: {  	[sflag:s0] =	ssyncadd.s32 @!p0 s1  }
0x192: {  	[bflag:$0x3] =	sbarrier.arrive $0xFFFF  }
0x193: {  	_ =	shalt  }

</sc_bundles>
